<compile_context>
chip_gen: v7x
topology: tpu7x:2x2x1
jax: 0.10.2.dev20260603
libtpu: 0.0.44.dev20260713+nightly
codegen_flags: <defaults>
</compile_context>

<pallas_src>
import functools

import jax
import jax.numpy as jnp
from jax import lax
from jax.experimental import pallas as pl
from jax.experimental.pallas import tpu as pltpu
from jax.experimental.pallas import tpu_sc as plsc

D = 32
CH = 128
CPB = 8
BLK = CH * CPB
NBUF = 2

_info = plsc.get_sparse_core_info()
NC = _info.num_cores
NS = _info.num_subcores
NW = NC * NS


def _make_gather(n_rows: int):
    assert n_rows % (NW * BLK) == 0
    b_per_w = n_rows // NW
    nblk = b_per_w // BLK
    assert nblk % NBUF == 0
    chunks_per_w = b_per_w // CH

    mesh = plsc.VectorSubcoreMesh(core_axis_name="c", subcore_axis_name="s")

    @functools.partial(
        pl.kernel,
        mesh=mesh,
        compiler_params=pltpu.CompilerParams(use_tc_tiling_on_sc=False),
        out_type=jax.ShapeDtypeStruct((n_rows, 128), jnp.float32),
        scratch_types=(
            [pltpu.VMEM((NBUF, CPB, CH), jnp.int32),
             pltpu.VMEM((NBUF, BLK, D), jnp.float32)]
            + [pltpu.SemaphoreType.DMA] * NBUF
        ),
    )
    def gather_kernel(x_hbm, table_hbm, out_hbm, idx_v, rows_v, *gsems):
        cid = lax.axis_index("c")
        sid = lax.axis_index("s")
        wid = sid * NC + cid
        row_base = wid * b_per_w
        chunk_base = wid * chunks_per_w

        def fire(blk, buf):
            pltpu.sync_copy(
                x_hbm.at[pl.ds(chunk_base + blk * CPB, CPB)], idx_v.at[buf]
            )
            for j in range(CPB):
                pltpu.async_copy(
                    table_hbm.at[idx_v.at[buf, j]],
                    rows_v.at[buf, pl.ds(j * CH, CH)],
                    gsems[buf],
                )

        def drain(buf):
            pltpu.make_async_copy(
                out_hbm.at[pl.ds(0, BLK), pl.ds(0, D)], rows_v.at[buf],
                gsems[buf],
            ).wait()

        def write_out(blk, buf):
            pltpu.sync_copy(
                rows_v.at[buf],
                out_hbm.at[pl.ds(row_base + blk * BLK, BLK), pl.ds(0, D)],
            )

        for b in range(NBUF):
            fire(b, b)

        def body(i, carry):
            for b in range(NBUF):
                blk = i * NBUF + b
                drain(b)
                write_out(blk, b)
                fire(blk + NBUF, b)
            return carry

        lax.fori_loop(0, nblk // NBUF - 1, body, 0)

        for b in range(NBUF):
            blk = (nblk - NBUF) + b
            drain(b)
            write_out(blk, b)

    return gather_kernel


def kernel(x, table):
    batch, hist = x.shape
    n_rows = batch * hist
    xf = x.T.reshape(n_rows // CH, CH).astype(jnp.int32)
    out = _make_gather(n_rows)(xf, table)
    return out[:, :D].reshape(hist, batch, D).transpose(1, 0, 2)

# --- scband reference (transcript-rebuilt; emitter-appended) ---
"""Pipeline reference for scband-char-embeddings-68736656605613 (READ-ONLY COPY).

The authoritative reference and input builder live on the scoring server;
editing this copy changes nothing except your own understanding.
"""

import jax, jax.numpy as jnp
import numpy as np

VOCAB = 1000000
EMB_DIM = 32
BATCH = 16384
HIST = 200


def setup_inputs(seed: int = 0) -> dict:
    key = jax.random.key(seed)
    k1, k2 = jax.random.split(key)
    x = jax.random.randint(k1, (BATCH, HIST), 0, VOCAB)
    table = jax.random.normal(k2, (VOCAB, EMB_DIM), dtype=jnp.float32)
    # padding_idx=0: nn.Embedding initializes that row to zeros
    table = table.at[0].set(0.0)
    return {"x": x, "table": table}


def reference(x, table):
    # nn.Embedding forward: simple row gather from the table
    return jnp.take(table, x, axis=0)

if __name__ == "__main__":
    import jax
    _d = setup_inputs()
    print(jax.jit(kernel)(*tuple(_d.values())))

</pallas_src>

<mosaic_0001>
#map = affine_map<(d0, d1) -> (0, 0)>
module attributes {stable_mosaic.version = 14 : i64} {
  func.func @gather_kernel(%arg0: i32, %arg1: i32, %arg2: memref<25600x128xi32, #tpu.memory_space<hbm>>, %arg3: memref<1000000x32xf32, #tpu.memory_space<hbm>>, %arg4: memref<3276800x128xf32, #tpu.memory_space<hbm>>, %arg5: memref<2x8x128xi32, #tpu.memory_space<vmem>>, %arg6: memref<2x1024x32xf32, #tpu.memory_space<vmem>>, %arg7: memref<!tpu.dma_semaphore, #tpu.memory_space<semaphore_mem>>, %arg8: memref<!tpu.dma_semaphore, #tpu.memory_space<semaphore_mem>>) attributes {dimension_semantics = [#tpu.dimension_semantics<core_parallel>, #tpu.dimension_semantics<subcore_parallel>], iteration_bounds = array<i64: 2, 16>, scalar_prefetch = 0 : i64, scratch_operands = 4 : i64, tpu.core_type = #tpu.core_type<sc_vector_subcore>, window_params = [{transform_indices = #map}, {transform_indices = #map}, {transform_indices = #map}]} {
    %mul3A = arith.constant 2 : i32
    %mul3A_0 = arith.muli %arg1, %mul3A : i32
    %add3A = arith.addi %mul3A_0, %arg0 : i32
    %mul3A_1 = arith.constant 102400 : i32
    %mul3A_2 = arith.muli %add3A, %mul3A_1 : i32
    %mul3A_3 = arith.constant 800 : i32
    %mul3A_4 = arith.muli %add3A, %mul3A_3 : i32
    %add3A_5 = arith.constant 0 : i32
    %add3A_6 = arith.addi %mul3A_4, %add3A_5 : i32
    %run_scoped3A = arith.constant 0 : i32
    "tpu.region"() ({
      %run_scoped3A_257 = tpu.sem_alloc : memref<!tpu.dma_semaphore, #tpu.memory_space<semaphore_mem>>
      %dma_start3A_258 = arith.constant 0 : i32
      %dma_start3A_259 = arith.constant 0 : i32
      %dma_start3A_260 = tpu.memref_slice %arg5[%run_scoped3A, %dma_start3A_258, %dma_start3A_259] : memref<2x8x128xi32, #tpu.memory_space<vmem>> -> memref<1x8x128xi32, #tpu.memory_space<vmem>>
      %dma_start3A_261 = tpu.memref_squeeze %dma_start3A_260 : memref<1x8x128xi32, #tpu.memory_space<vmem>> -> memref<8x128xi32, #tpu.memory_space<vmem>>
      %dma_start3A_262 = arith.constant 0 : i32
      %dma_start3A_263 = tpu.memref_slice %arg2[%add3A_6, %dma_start3A_262] : memref<25600x128xi32, #tpu.memory_space<hbm>> -> memref<8x128xi32, #tpu.memory_space<hbm>>
      %dma_start3A_264 = arith.constant 0 : i32
      %dma_start3A_265 = arith.constant 0 : i32
      %dma_start3A_266 = tpu.memref_slice %arg5[%run_scoped3A, %dma_start3A_264, %dma_start3A_265] : memref<2x8x128xi32, #tpu.memory_space<vmem>> -> memref<1x8x128xi32, #tpu.memory_space<vmem>>
      %dma_start3A_267 = tpu.memref_squeeze %dma_start3A_266 : memref<1x8x128xi32, #tpu.memory_space<vmem>> -> memref<8x128xi32, #tpu.memory_space<vmem>>
      %dma_start3A_268 = arith.constant 0 : i32
      %dma_start3A_269 = tpu.memref_slice %arg2[%add3A_6, %dma_start3A_268] : memref<25600x128xi32, #tpu.memory_space<hbm>> -> memref<8x128xi32, #tpu.memory_space<hbm>>
      tpu.enqueue_dma source(%dma_start3A_269 : memref<8x128xi32, #tpu.memory_space<hbm>>) target(%dma_start3A_267 : memref<8x128xi32, #tpu.memory_space<vmem>>) target_semaphore(%run_scoped3A_257 : memref<!tpu.dma_semaphore, #tpu.memory_space<semaphore_mem>>)
      %dma_wait3A_270 = arith.constant 0 : i32
      %dma_wait3A_271 = arith.constant 0 : i32
      %dma_wait3A_272 = tpu.memref_slice %arg5[%run_scoped3A, %dma_wait3A_270, %dma_wait3A_271] : memref<2x8x128xi32, #tpu.memory_space<vmem>> -> memref<1x8x128xi32, #tpu.memory_space<vmem>>
      %dma_wait3A_273 = tpu.memref_squeeze %dma_wait3A_272 : memref<1x8x128xi32, #tpu.memory_space<vmem>> -> memref<8x128xi32, #tpu.memory_space<vmem>>
      %dma_wait3A_274 = arith.constant 0 : i32
      %dma_wait3A_275 = tpu.memref_slice %arg2[%add3A_6, %dma_wait3A_274] : memref<25600x128xi32, #tpu.memory_space<hbm>> -> memref<8x128xi32, #tpu.memory_space<hbm>>
      %dma_wait3A_276 = arith.constant 0 : i32
      %dma_wait3A_277 = arith.constant 0 : i32
      %dma_wait3A_278 = tpu.memref_slice %arg5[%run_scoped3A, %dma_wait3A_276, %dma_wait3A_277] : memref<2x8x128xi32, #tpu.memory_space<vmem>> -> memref<1x8x128xi32, #tpu.memory_space<vmem>>
      %dma_wait3A_279 = tpu.memref_squeeze %dma_wait3A_278 : memref<1x8x128xi32, #tpu.memory_space<vmem>> -> memref<8x128xi32, #tpu.memory_space<vmem>>
      %dma_wait3A_280 = arith.constant 0 : i32
      %dma_wait3A_281 = tpu.memref_slice %arg2[%add3A_6, %dma_wait3A_280] : memref<25600x128xi32, #tpu.memory_space<hbm>> -> memref<8x128xi32, #tpu.memory_space<hbm>>
      tpu.wait_dma2 semaphore(%run_scoped3A_257 : memref<!tpu.dma_semaphore, #tpu.memory_space<semaphore_mem>>) src(%dma_wait3A_281 : memref<8x128xi32, #tpu.memory_space<hbm>>) dst(%dma_wait3A_279 : memref<8x128xi32, #tpu.memory_space<vmem>>)
      tpu.yield
    }) : () -> ()
    %dma_start3A = arith.constant 0 : i32
    %dma_start3A_7 = arith.constant 0 : i32
    %dma_start3A_8 = arith.constant 0 : i32
    %dma_start3A_9 = arith.constant 0 : i32
    %dma_start3A_10 = arith.constant 0 : i32
    %dma_start3A_11 = tpu.memref_slice %arg6[%dma_start3A_8, %dma_start3A_9, %dma_start3A_10] : memref<2x1024x32xf32, #tpu.memory_space<vmem>> -> memref<1x128x32xf32, #tpu.memory_space<vmem>>
    %dma_start3A_12 = tpu.memref_squeeze %dma_start3A_11 : memref<1x128x32xf32, #tpu.memory_space<vmem>> -> memref<128x32xf32, #tpu.memory_space<vmem>>
    %dma_start3A_13 = arith.constant 0 : i32
    %dma_start3A_14 = tpu.memref_slice %arg5[%dma_start3A, %dma_start3A_7, %dma_start3A_13] : memref<2x8x128xi32, #tpu.memory_space<vmem>> -> memref<1x1x128xi32, #tpu.memory_space<vmem>>
    %dma_start3A_15 = tpu.memref_squeeze %dma_start3A_14 : memref<1x1x128xi32, #tpu.memory_space<vmem>> -> memref<128xi32, #tpu.memory_space<vmem>>
    %dma_start3A_16 = arith.constant 0 : i32
    %dma_start3A_17 = arith.constant 0 : i32
    %dma_start3A_18 = tpu.memref_slice %arg3[%dma_start3A_16, %dma_start3A_17] : memref<1000000x32xf32, #tpu.memory_space<hbm>> -> memref<1000000x32xf32, #tpu.memory_space<hbm>>
    tpu.enqueue_indirect_dma source(%dma_start3A_18 : memref<1000000x32xf32, #tpu.memory_space<hbm>>) target(%dma_start3A_12 : memref<128x32xf32, #tpu.memory_space<vmem>>) offsets(%dma_start3A_15 : memref<128xi32, #tpu.memory_space<vmem>>) semaphore(%arg7 : memref<!tpu.dma_semaphore, #tpu.memory_space<semaphore_mem>>)
    %dma_start3A_19 = arith.constant 0 : i32
    %dma_start3A_20 = arith.constant 1 : i32
    %dma_start3A_21 = arith.constant 0 : i32
    %dma_start3A_22 = arith.constant 128 : i32
    %dma_start3A_23 = arith.constant 0 : i32
    %dma_start3A_24 = tpu.memref_slice %arg6[%dma_start3A_21, %dma_start3A_22, %dma_start3A_23] : memref<2x1024x32xf32, #tpu.memory_space<vmem>> -> memref<1x128x32xf32, #tpu.memory_space<vmem>>
    %dma_start3A_25 = tpu.memref_squeeze %dma_start3A_24 : memref<1x128x32xf32, #tpu.memory_space<vmem>> -> memref<128x32xf32, #tpu.memory_space<vmem>>
    %dma_start3A_26 = arith.constant 0 : i32
    %dma_start3A_27 = tpu.memref_slice %arg5[%dma_start3A_19, %dma_start3A_20, %dma_start3A_26] : memref<2x8x128xi32, #tpu.memory_space<vmem>> -> memref<1x1x128xi32, #tpu.memory_space<vmem>>
    %dma_start3A_28 = tpu.memref_squeeze %dma_start3A_27 : memref<1x1x128xi32, #tpu.memory_space<vmem>> -> memref<128xi32, #tpu.memory_space<vmem>>
    %dma_start3A_29 = arith.constant 0 : i32
    %dma_start3A_30 = arith.constant 0 : i32
    %dma_start3A_31 = tpu.memref_slice %arg3[%dma_start3A_29, %dma_start3A_30] : memref<1000000x32xf32, #tpu.memory_space<hbm>> -> memref<1000000x32xf32, #tpu.memory_space<hbm>>
    tpu.enqueue_indirect_dma source(%dma_start3A_31 : memref<1000000x32xf32, #tpu.memory_space<hbm>>) target(%dma_start3A_25 : memref<128x32xf32, #tpu.memory_space<vmem>>) offsets(%dma_start3A_28 : memref<128xi32, #tpu.memory_space<vmem>>) semaphore(%arg7 : memref<!tpu.dma_semaphore, #tpu.memory_space<semaphore_mem>>)
    %dma_start3A_32 = arith.constant 0 : i32
    %dma_start3A_33 = arith.constant 2 : i32
    %dma_start3A_34 = arith.constant 0 : i32
    %dma_start3A_35 = arith.constant 256 : i32
    %dma_start3A_36 = arith.constant 0 : i32
    %dma_start3A_37 = tpu.memref_slice %arg6[%dma_start3A_34, %dma_start3A_35, %dma_start3A_36] : memref<2x1024x32xf32, #tpu.memory_space<vmem>> -> memref<1x128x32xf32, #tpu.memory_space<vmem>>
    %dma_start3A_38 = tpu.memref_squeeze %dma_start3A_37 : memref<1x128x32xf32, #tpu.memory_space<vmem>> -> memref<128x32xf32, #tpu.memory_space<vmem>>
    %dma_start3A_39 = arith.constant 0 : i32
    %dma_start3A_40 = tpu.memref_slice %arg5[%dma_start3A_32, %dma_start3A_33, %dma_start3A_39] : memref<2x8x128xi32, #tpu.memory_space<vmem>> -> memref<1x1x128xi32, #tpu.memory_space<vmem>>
    %dma_start3A_41 = tpu.memref_squeeze %dma_start3A_40 : memref<1x1x128xi32, #tpu.memory_space<vmem>> -> memref<128xi32, #tpu.memory_space<vmem>>
    %dma_start3A_42 = arith.constant 0 : i32
    %dma_start3A_43 = arith.constant 0 : i32
    %dma_start3A_44 = tpu.memref_slice %arg3[%dma_start3A_42, %dma_start3A_43] : memref<1000000x32xf32, #tpu.memory_space<hbm>> -> memref<1000000x32xf32, #tpu.memory_space<hbm>>
    tpu.enqueue_indirect_dma source(%dma_start3A_44 : memref<1000000x32xf32, #tpu.memory_space<hbm>>) target(%dma_start3A_38 : memref<128x32xf32, #tpu.memory_space<vmem>>) offsets(%dma_start3A_41 : memref<128xi32, #tpu.memory_space<vmem>>) semaphore(%arg7 : memref<!tpu.dma_semaphore, #tpu.memory_space<semaphore_mem>>)
    %dma_start3A_45 = arith.constant 0 : i32
    %dma_start3A_46 = arith.constant 3 : i32
    %dma_start3A_47 = arith.constant 0 : i32
    %dma_start3A_48 = arith.constant 384 : i32
    %dma_start3A_49 = arith.constant 0 : i32
    %dma_start3A_50 = tpu.memref_slice %arg6[%dma_start3A_47, %dma_start3A_48, %dma_start3A_49] : memref<2x1024x32xf32, #tpu.memory_space<vmem>> -> memref<1x128x32xf32, #tpu.memory_space<vmem>>
    %dma_start3A_51 = tpu.memref_squeeze %dma_start3A_50 : memref<1x128x32xf32, #tpu.memory_space<vmem>> -> memref<128x32xf32, #tpu.memory_space<vmem>>
    %dma_start3A_52 = arith.constant 0 : i32
    %dma_start3A_53 = tpu.memref_slice %arg5[%dma_start3A_45, %dma_start3A_46, %dma_start3A_52] : memref<2x8x128xi32, #tpu.memory_space<vmem>> -> memref<1x1x128xi32, #tpu.memory_space<vmem>>
    %dma_start3A_54 = tpu.memref_squeeze %dma_start3A_53 : memref<1x1x128xi32, #tpu.memory_space<vmem>> -> memref<128xi32, #tpu.memory_space<vmem>>
    %dma_start3A_55 = arith.constant 0 : i32
    %dma_start3A_56 = arith.constant 0 : i32
    %dma_start3A_57 = tpu.memref_slice %arg3[%dma_start3A_55, %dma_start3A_56] : memref<1000000x32xf32, #tpu.memory_space<hbm>> -> memref<1000000x32xf32, #tpu.memory_space<hbm>>
    tpu.enqueue_indirect_dma source(%dma_start3A_57 : memref<1000000x32xf32, #tpu.memory_space<hbm>>) target(%dma_start3A_51 : memref<128x32xf32, #tpu.memory_space<vmem>>) offsets(%dma_start3A_54 : memref<128xi32, #tpu.memory_space<vmem>>) semaphore(%arg7 : memref<!tpu.dma_semaphore, #tpu.memory_space<semaphore_mem>>)
    %dma_start3A_58 = arith.constant 0 : i32
    %dma_start3A_59 = arith.constant 4 : i32
    %dma_start3A_60 = arith.constant 0 : i32
    %dma_start3A_61 = arith.constant 512 : i32
    %dma_start3A_62 = arith.constant 0 : i32
    %dma_start3A_63 = tpu.memref_slice %arg6[%dma_start3A_60, %dma_start3A_61, %dma_start3A_62] : memref<2x1024x32xf32, #tpu.memory_space<vmem>> -> memref<1x128x32xf32, #tpu.memory_space<vmem>>
    %dma_start3A_64 = tpu.memref_squeeze %dma_start3A_63 : memref<1x128x32xf32, #tpu.memory_space<vmem>> -> memref<128x32xf32, #tpu.memory_space<vmem>>
    %dma_start3A_65 = arith.constant 0 : i32
    %dma_start3A_66 = tpu.memref_slice %arg5[%dma_start3A_58, %dma_start3A_59, %dma_start3A_65] : memref<2x8x128xi32, #tpu.memory_space<vmem>> -> memref<1x1x128xi32, #tpu.memory_space<vmem>>
    %dma_start3A_67 = tpu.memref_squeeze %dma_start3A_66 : memref<1x1x128xi32, #tpu.memory_space<vmem>> -> memref<128xi32, #tpu.memory_space<vmem>>
    %dma_start3A_68 = arith.constant 0 : i32
    %dma_start3A_69 = arith.constant 0 : i32
    %dma_start3A_70 = tpu.memref_slice %arg3[%dma_start3A_68, %dma_start3A_69] : memref<1000000x32xf32, #tpu.memory_space<hbm>> -> memref<1000000x32xf32, #tpu.memory_space<hbm>>
    tpu.enqueue_indirect_dma source(%dma_start3A_70 : memref<1000000x32xf32, #tpu.memory_space<hbm>>) target(%dma_start3A_64 : memref<128x32xf32, #tpu.memory_space<vmem>>) offsets(%dma_start3A_67 : memref<128xi32, #tpu.memory_space<vmem>>) semaphore(%arg7 : memref<!tpu.dma_semaphore, #tpu.memory_space<semaphore_mem>>)
    %dma_start3A_71 = arith.constant 0 : i32
    %dma_start3A_72 = arith.constant 5 : i32
    %dma_start3A_73 = arith.constant 0 : i32
    %dma_start3A_74 = arith.constant 640 : i32
    %dma_start3A_75 = arith.constant 0 : i32
    %dma_start3A_76 = tpu.memref_slice %arg6[%dma_start3A_73, %dma_start3A_74, %dma_start3A_75] : memref<2x1024x32xf32, #tpu.memory_space<vmem>> -> memref<1x128x32xf32, #tpu.memory_space<vmem>>
    %dma_start3A_77 = tpu.memref_squeeze %dma_start3A_76 : memref<1x128x32xf32, #tpu.memory_space<vmem>> -> memref<128x32xf32, #tpu.memory_space<vmem>>
    %dma_start3A_78 = arith.constant 0 : i32
    %dma_start3A_79 = tpu.memref_slice %arg5[%dma_start3A_71, %dma_start3A_72, %dma_start3A_78] : memref<2x8x128xi32, #tpu.memory_space<vmem>> -> memref<1x1x128xi32, #tpu.memory_space<vmem>>
    %dma_start3A_80 = tpu.memref_squeeze %dma_start3A_79 : memref<1x1x128xi32, #tpu.memory_space<vmem>> -> memref<128xi32, #tpu.memory_space<vmem>>
    %dma_start3A_81 = arith.constant 0 : i32
    %dma_start3A_82 = arith.constant 0 : i32
    %dma_start3A_83 = tpu.memref_slice %arg3[%dma_start3A_81, %dma_start3A_82] : memref<1000000x32xf32, #tpu.memory_space<hbm>> -> memref<1000000x32xf32, #tpu.memory_space<hbm>>
    tpu.enqueue_indirect_dma source(%dma_start3A_83 : memref<1000000x32xf32, #tpu.memory_space<hbm>>) target(%dma_start3A_77 : memref<128x32xf32, #tpu.memory_space<vmem>>) offsets(%dma_start3A_80 : memref<128xi32, #tpu.memory_space<vmem>>) semaphore(%arg7 : memref<!tpu.dma_semaphore, #tpu.memory_space<semaphore_mem>>)
    %dma_start3A_84 = arith.constant 0 : i32
    %dma_start3A_85 = arith.constant 6 : i32
    %dma_start3A_86 = arith.constant 0 : i32
    %dma_start3A_87 = arith.constant 768 : i32
    %dma_start3A_88 = arith.constant 0 : i32
    %dma_start3A_89 = tpu.memref_slice %arg6[%dma_start3A_86, %dma_start3A_87, %dma_start3A_88] : memref<2x1024x32xf32, #tpu.memory_space<vmem>> -> memref<1x128x32xf32, #tpu.memory_space<vmem>>
    %dma_start3A_90 = tpu.memref_squeeze %dma_start3A_89 : memref<1x128x32xf32, #tpu.memory_space<vmem>> -> memref<128x32xf32, #tpu.memory_space<vmem>>
    %dma_start3A_91 = arith.constant 0 : i32
    %dma_start3A_92 = tpu.memref_slice %arg5[%dma_start3A_84, %dma_start3A_85, %dma_start3A_91] : memref<2x8x128xi32, #tpu.memory_space<vmem>> -> memref<1x1x128xi32, #tpu.memory_space<vmem>>
    %dma_start3A_93 = tpu.memref_squeeze %dma_start3A_92 : memref<1x1x128xi32, #tpu.memory_space<vmem>> -> memref<128xi32, #tpu.memory_space<vmem>>
    %dma_start3A_94 = arith.constant 0 : i32
    %dma_start3A_95 = arith.constant 0 : i32
    %dma_start3A_96 = tpu.memref_slice %arg3[%dma_start3A_94, %dma_start3A_95] : memref<1000000x32xf32, #tpu.memory_space<hbm>> -> memref<1000000x32xf32, #tpu.memory_space<hbm>>
    tpu.enqueue_indirect_dma source(%dma_start3A_96 : memref<1000000x32xf32, #tpu.memory_space<hbm>>) target(%dma_start3A_90 : memref<128x32xf32, #tpu.memory_space<vmem>>) offsets(%dma_start3A_93 : memref<128xi32, #tpu.memory_space<vmem>>) semaphore(%arg7 : memref<!tpu.dma_semaphore, #tpu.memory_space<semaphore_mem>>)
    %dma_start3A_97 = arith.constant 0 : i32
    %dma_start3A_98 = arith.constant 7 : i32
    %dma_start3A_99 = arith.constant 0 : i32
    %dma_start3A_100 = arith.constant 896 : i32
    %dma_start3A_101 = arith.constant 0 : i32
    %dma_start3A_102 = tpu.memref_slice %arg6[%dma_start3A_99, %dma_start3A_100, %dma_start3A_101] : memref<2x1024x32xf32, #tpu.memory_space<vmem>> -> memref<1x128x32xf32, #tpu.memory_space<vmem>>
    %dma_start3A_103 = tpu.memref_squeeze %dma_start3A_102 : memref<1x128x32xf32, #tpu.memory_space<vmem>> -> memref<128x32xf32, #tpu.memory_space<vmem>>
    %dma_start3A_104 = arith.constant 0 : i32
    %dma_start3A_105 = tpu.memref_slice %arg5[%dma_start3A_97, %dma_start3A_98, %dma_start3A_104] : memref<2x8x128xi32, #tpu.memory_space<vmem>> -> memref<1x1x128xi32, #tpu.memory_space<vmem>>
    %dma_start3A_106 = tpu.memref_squeeze %dma_start3A_105 : memref<1x1x128xi32, #tpu.memory_space<vmem>> -> memref<128xi32, #tpu.memory_space<vmem>>
    %dma_start3A_107 = arith.constant 0 : i32
    %dma_start3A_108 = arith.constant 0 : i32
    %dma_start3A_109 = tpu.memref_slice %arg3[%dma_start3A_107, %dma_start3A_108] : memref<1000000x32xf32, #tpu.memory_space<hbm>> -> memref<1000000x32xf32, #tpu.memory_space<hbm>>
    tpu.enqueue_indirect_dma source(%dma_start3A_109 : memref<1000000x32xf32, #tpu.memory_space<hbm>>) target(%dma_start3A_103 : memref<128x32xf32, #tpu.memory_space<vmem>>) offsets(%dma_start3A_106 : memref<128xi32, #tpu.memory_space<vmem>>) semaphore(%arg7 : memref<!tpu.dma_semaphore, #tpu.memory_space<semaphore_mem>>)
    %add3A_110 = arith.constant 8 : i32
    %add3A_111 = arith.addi %mul3A_4, %add3A_110 : i32
    %run_scoped3A_112 = arith.constant 1 : i32
    "tpu.region"() ({
      %run_scoped3A_257 = tpu.sem_alloc : memref<!tpu.dma_semaphore, #tpu.memory_space<semaphore_mem>>
      %dma_start3A_258 = arith.constant 0 : i32
      %dma_start3A_259 = arith.constant 0 : i32
      %dma_start3A_260 = tpu.memref_slice %arg5[%run_scoped3A_112, %dma_start3A_258, %dma_start3A_259] : memref<2x8x128xi32, #tpu.memory_space<vmem>> -> memref<1x8x128xi32, #tpu.memory_space<vmem>>
      %dma_start3A_261 = tpu.memref_squeeze %dma_start3A_260 : memref<1x8x128xi32, #tpu.memory_space<vmem>> -> memref<8x128xi32, #tpu.memory_space<vmem>>
      %dma_start3A_262 = arith.constant 0 : i32
      %dma_start3A_263 = tpu.memref_slice %arg2[%add3A_111, %dma_start3A_262] : memref<25600x128xi32, #tpu.memory_space<hbm>> -> memref<8x128xi32, #tpu.memory_space<hbm>>
      %dma_start3A_264 = arith.constant 0 : i32
      %dma_start3A_265 = arith.constant 0 : i32
      %dma_start3A_266 = tpu.memref_slice %arg5[%run_scoped3A_112, %dma_start3A_264, %dma_start3A_265] : memref<2x8x128xi32, #tpu.memory_space<vmem>> -> memref<1x8x128xi32, #tpu.memory_space<vmem>>
      %dma_start3A_267 = tpu.memref_squeeze %dma_start3A_266 : memref<1x8x128xi32, #tpu.memory_space<vmem>> -> memref<8x128xi32, #tpu.memory_space<vmem>>
      %dma_start3A_268 = arith.constant 0 : i32
      %dma_start3A_269 = tpu.memref_slice %arg2[%add3A_111, %dma_start3A_268] : memref<25600x128xi32, #tpu.memory_space<hbm>> -> memref<8x128xi32, #tpu.memory_space<hbm>>
      tpu.enqueue_dma source(%dma_start3A_269 : memref<8x128xi32, #tpu.memory_space<hbm>>) target(%dma_start3A_267 : memref<8x128xi32, #tpu.memory_space<vmem>>) target_semaphore(%run_scoped3A_257 : memref<!tpu.dma_semaphore, #tpu.memory_space<semaphore_mem>>)
      %dma_wait3A_270 = arith.constant 0 : i32
      %dma_wait3A_271 = arith.constant 0 : i32
      %dma_wait3A_272 = tpu.memref_slice %arg5[%run_scoped3A_112, %dma_wait3A_270, %dma_wait3A_271] : memref<2x8x128xi32, #tpu.memory_space<vmem>> -> memref<1x8x128xi32, #tpu.memory_space<vmem>>
      %dma_wait3A_273 = tpu.memref_squeeze %dma_wait3A_272 : memref<1x8x128xi32, #tpu.memory_space<vmem>> -> memref<8x128xi32, #tpu.memory_space<vmem>>
      %dma_wait3A_274 = arith.constant 0 : i32
      %dma_wait3A_275 = tpu.memref_slice %arg2[%add3A_111, %dma_wait3A_274] : memref<25600x128xi32, #tpu.memory_space<hbm>> -> memref<8x128xi32, #tpu.memory_space<hbm>>
      %dma_wait3A_276 = arith.constant 0 : i32
      %dma_wait3A_277 = arith.constant 0 : i32
      %dma_wait3A_278 = tpu.memref_slice %arg5[%run_scoped3A_112, %dma_wait3A_276, %dma_wait3A_277] : memref<2x8x128xi32, #tpu.memory_space<vmem>> -> memref<1x8x128xi32, #tpu.memory_space<vmem>>
      %dma_wait3A_279 = tpu.memref_squeeze %dma_wait3A_278 : memref<1x8x128xi32, #tpu.memory_space<vmem>> -> memref<8x128xi32, #tpu.memory_space<vmem>>
      %dma_wait3A_280 = arith.constant 0 : i32
      %dma_wait3A_281 = tpu.memref_slice %arg2[%add3A_111, %dma_wait3A_280] : memref<25600x128xi32, #tpu.memory_space<hbm>> -> memref<8x128xi32, #tpu.memory_space<hbm>>
      tpu.wait_dma2 semaphore(%run_scoped3A_257 : memref<!tpu.dma_semaphore, #tpu.memory_space<semaphore_mem>>) src(%dma_wait3A_281 : memref<8x128xi32, #tpu.memory_space<hbm>>) dst(%dma_wait3A_279 : memref<8x128xi32, #tpu.memory_space<vmem>>)
      tpu.yield
    }) : () -> ()
    %dma_start3A_113 = arith.constant 1 : i32
    %dma_start3A_114 = arith.constant 0 : i32
    %dma_start3A_115 = arith.constant 1 : i32
    %dma_start3A_116 = arith.constant 0 : i32
    %dma_start3A_117 = arith.constant 0 : i32
    %dma_start3A_118 = tpu.memref_slice %arg6[%dma_start3A_115, %dma_start3A_116, %dma_start3A_117] : memref<2x1024x32xf32, #tpu.memory_space<vmem>> -> memref<1x128x32xf32, #tpu.memory_space<vmem>>
    %dma_start3A_119 = tpu.memref_squeeze %dma_start3A_118 : memref<1x128x32xf32, #tpu.memory_space<vmem>> -> memref<128x32xf32, #tpu.memory_space<vmem>>
    %dma_start3A_120 = arith.constant 0 : i32
    %dma_start3A_121 = tpu.memref_slice %arg5[%dma_start3A_113, %dma_start3A_114, %dma_start3A_120] : memref<2x8x128xi32, #tpu.memory_space<vmem>> -> memref<1x1x128xi32, #tpu.memory_space<vmem>>
    %dma_start3A_122 = tpu.memref_squeeze %dma_start3A_121 : memref<1x1x128xi32, #tpu.memory_space<vmem>> -> memref<128xi32, #tpu.memory_space<vmem>>
    %dma_start3A_123 = arith.constant 0 : i32
    %dma_start3A_124 = arith.constant 0 : i32
    %dma_start3A_125 = tpu.memref_slice %arg3[%dma_start3A_123, %dma_start3A_124] : memref<1000000x32xf32, #tpu.memory_space<hbm>> -> memref<1000000x32xf32, #tpu.memory_space<hbm>>
    tpu.enqueue_indirect_dma source(%dma_start3A_125 : memref<1000000x32xf32, #tpu.memory_space<hbm>>) target(%dma_start3A_119 : memref<128x32xf32, #tpu.memory_space<vmem>>) offsets(%dma_start3A_122 : memref<128xi32, #tpu.memory_space<vmem>>) semaphore(%arg8 : memref<!tpu.dma_semaphore, #tpu.memory_space<semaphore_mem>>)
    %dma_start3A_126 = arith.constant 1 : i32
    %dma_start3A_127 = arith.constant 1 : i32
    %dma_start3A_128 = arith.constant 1 : i32
    %dma_start3A_129 = arith.constant 128 : i32
    %dma_start3A_130 = arith.constant 0 : i32
    %dma_start3A_131 = tpu.memref_slice %arg6[%dma_start3A_128, %dma_start3A_129, %dma_start3A_130] : memref<2x1024x32xf32, #tpu.memory_space<vmem>> -> memref<1x128x32xf32, #tpu.memory_space<vmem>>
    %dma_start3A_132 = tpu.memref_squeeze %dma_start3A_131 : memref<1x128x32xf32, #tpu.memory_space<vmem>> -> memref<128x32xf32, #tpu.memory_space<vmem>>
    %dma_start3A_133 = arith.constant 0 : i32
    %dma_start3A_134 = tpu.memref_slice %arg5[%dma_start3A_126, %dma_start3A_127, %dma_start3A_133] : memref<2x8x128xi32, #tpu.memory_space<vmem>> -> memref<1x1x128xi32, #tpu.memory_space<vmem>>
    %dma_start3A_135 = tpu.memref_squeeze %dma_start3A_134 : memref<1x1x128xi32, #tpu.memory_space<vmem>> -> memref<128xi32, #tpu.memory_space<vmem>>
    %dma_start3A_136 = arith.constant 0 : i32
    %dma_start3A_137 = arith.constant 0 : i32
    %dma_start3A_138 = tpu.memref_slice %arg3[%dma_start3A_136, %dma_start3A_137] : memref<1000000x32xf32, #tpu.memory_space<hbm>> -> memref<1000000x32xf32, #tpu.memory_space<hbm>>
    tpu.enqueue_indirect_dma source(%dma_start3A_138 : memref<1000000x32xf32, #tpu.memory_space<hbm>>) target(%dma_start3A_132 : memref<128x32xf32, #tpu.memory_space<vmem>>) offsets(%dma_start3A_135 : memref<128xi32, #tpu.memory_space<vmem>>) semaphore(%arg8 : memref<!tpu.dma_semaphore, #tpu.memory_space<semaphore_mem>>)
    %dma_start3A_139 = arith.constant 1 : i32
    %dma_start3A_140 = arith.constant 2 : i32
    %dma_start3A_141 = arith.constant 1 : i32
    %dma_start3A_142 = arith.constant 256 : i32
    %dma_start3A_143 = arith.constant 0 : i32
    %dma_start3A_144 = tpu.memref_slice %arg6[%dma_start3A_141, %dma_start3A_142, %dma_start3A_143] : memref<2x1024x32xf32, #tpu.memory_space<vmem>> -> memref<1x128x32xf32, #tpu.memory_space<vmem>>
    %dma_start3A_145 = tpu.memref_squeeze %dma_start3A_144 : memref<1x128x32xf32, #tpu.memory_space<vmem>> -> memref<128x32xf32, #tpu.memory_space<vmem>>
    %dma_start3A_146 = arith.constant 0 : i32
    %dma_start3A_147 = tpu.memref_slice %arg5[%dma_start3A_139, %dma_start3A_140, %dma_start3A_146] : memref<2x8x128xi32, #tpu.memory_space<vmem>> -> memref<1x1x128xi32, #tpu.memory_space<vmem>>
    %dma_start3A_148 = tpu.memref_squeeze %dma_start3A_147 : memref<1x1x128xi32, #tpu.memory_space<vmem>> -> memref<128xi32, #tpu.memory_space<vmem>>
    %dma_start3A_149 = arith.constant 0 : i32
    %dma_start3A_150 = arith.constant 0 : i32
    %dma_start3A_151 = tpu.memref_slice %arg3[%dma_start3A_149, %dma_start3A_150] : memref<1000000x32xf32, #tpu.memory_space<hbm>> -> memref<1000000x32xf32, #tpu.memory_space<hbm>>
    tpu.enqueue_indirect_dma source(%dma_start3A_151 : memref<1000000x32xf32, #tpu.memory_space<hbm>>) target(%dma_start3A_145 : memref<128x32xf32, #tpu.memory_space<vmem>>) offsets(%dma_start3A_148 : memref<128xi32, #tpu.memory_space<vmem>>) semaphore(%arg8 : memref<!tpu.dma_semaphore, #tpu.memory_space<semaphore_mem>>)
    %dma_start3A_152 = arith.constant 1 : i32
    %dma_start3A_153 = arith.constant 3 : i32
    %dma_start3A_154 = arith.constant 1 : i32
    %dma_start3A_155 = arith.constant 384 : i32
    %dma_start3A_156 = arith.constant 0 : i32
    %dma_start3A_157 = tpu.memref_slice %arg6[%dma_start3A_154, %dma_start3A_155, %dma_start3A_156] : memref<2x1024x32xf32, #tpu.memory_space<vmem>> -> memref<1x128x32xf32, #tpu.memory_space<vmem>>
    %dma_start3A_158 = tpu.memref_squeeze %dma_start3A_157 : memref<1x128x32xf32, #tpu.memory_space<vmem>> -> memref<128x32xf32, #tpu.memory_space<vmem>>
    %dma_start3A_159 = arith.constant 0 : i32
    %dma_start3A_160 = tpu.memref_slice %arg5[%dma_start3A_152, %dma_start3A_153, %dma_start3A_159] : memref<2x8x128xi32, #tpu.memory_space<vmem>> -> memref<1x1x128xi32, #tpu.memory_space<vmem>>
    %dma_start3A_161 = tpu.memref_squeeze %dma_start3A_160 : memref<1x1x128xi32, #tpu.memory_space<vmem>> -> memref<128xi32, #tpu.memory_space<vmem>>
    %dma_start3A_162 = arith.constant 0 : i32
    %dma_start3A_163 = arith.constant 0 : i32
    %dma_start3A_164 = tpu.memref_slice %arg3[%dma_start3A_162, %dma_start3A_163] : memref<1000000x32xf32, #tpu.memory_space<hbm>> -> memref<1000000x32xf32, #tpu.memory_space<hbm>>
    tpu.enqueue_indirect_dma source(%dma_start3A_164 : memref<1000000x32xf32, #tpu.memory_space<hbm>>) target(%dma_start3A_158 : memref<128x32xf32, #tpu.memory_space<vmem>>) offsets(%dma_start3A_161 : memref<128xi32, #tpu.memory_space<vmem>>) semaphore(%arg8 : memref<!tpu.dma_semaphore, #tpu.memory_space<semaphore_mem>>)
    %dma_start3A_165 = arith.constant 1 : i32
    %dma_start3A_166 = arith.constant 4 : i32
    %dma_start3A_167 = arith.constant 1 : i32
    %dma_start3A_168 = arith.constant 512 : i32
    %dma_start3A_169 = arith.constant 0 : i32
    %dma_start3A_170 = tpu.memref_slice %arg6[%dma_start3A_167, %dma_start3A_168, %dma_start3A_169] : memref<2x1024x32xf32, #tpu.memory_space<vmem>> -> memref<1x128x32xf32, #tpu.memory_space<vmem>>
    %dma_start3A_171 = tpu.memref_squeeze %dma_start3A_170 : memref<1x128x32xf32, #tpu.memory_space<vmem>> -> memref<128x32xf32, #tpu.memory_space<vmem>>
    %dma_start3A_172 = arith.constant 0 : i32
    %dma_start3A_173 = tpu.memref_slice %arg5[%dma_start3A_165, %dma_start3A_166, %dma_start3A_172] : memref<2x8x128xi32, #tpu.memory_space<vmem>> -> memref<1x1x128xi32, #tpu.memory_space<vmem>>
    %dma_start3A_174 = tpu.memref_squeeze %dma_start3A_173 : memref<1x1x128xi32, #tpu.memory_space<vmem>> -> memref<128xi32, #tpu.memory_space<vmem>>
    %dma_start3A_175 = arith.constant 0 : i32
    %dma_start3A_176 = arith.constant 0 : i32
    %dma_start3A_177 = tpu.memref_slice %arg3[%dma_start3A_175, %dma_start3A_176] : memref<1000000x32xf32, #tpu.memory_space<hbm>> -> memref<1000000x32xf32, #tpu.memory_space<hbm>>
    tpu.enqueue_indirect_dma source(%dma_start3A_177 : memref<1000000x32xf32, #tpu.memory_space<hbm>>) target(%dma_start3A_171 : memref<128x32xf32, #tpu.memory_space<vmem>>) offsets(%dma_start3A_174 : memref<128xi32, #tpu.memory_space<vmem>>) semaphore(%arg8 : memref<!tpu.dma_semaphore, #tpu.memory_space<semaphore_mem>>)
    %dma_start3A_178 = arith.constant 1 : i32
    %dma_start3A_179 = arith.constant 5 : i32
    %dma_start3A_180 = arith.constant 1 : i32
    %dma_start3A_181 = arith.constant 640 : i32
    %dma_start3A_182 = arith.constant 0 : i32
    %dma_start3A_183 = tpu.memref_slice %arg6[%dma_start3A_180, %dma_start3A_181, %dma_start3A_182] : memref<2x1024x32xf32, #tpu.memory_space<vmem>> -> memref<1x128x32xf32, #tpu.memory_space<vmem>>
    %dma_start3A_184 = tpu.memref_squeeze %dma_start3A_183 : memref<1x128x32xf32, #tpu.memory_space<vmem>> -> memref<128x32xf32, #tpu.memory_space<vmem>>
    %dma_start3A_185 = arith.constant 0 : i32
    %dma_start3A_186 = tpu.memref_slice %arg5[%dma_start3A_178, %dma_start3A_179, %dma_start3A_185] : memref<2x8x128xi32, #tpu.memory_space<vmem>> -> memref<1x1x128xi32, #tpu.memory_space<vmem>>
    %dma_start3A_187 = tpu.memref_squeeze %dma_start3A_186 : memref<1x1x128xi32, #tpu.memory_space<vmem>> -> memref<128xi32, #tpu.memory_space<vmem>>
    %dma_start3A_188 = arith.constant 0 : i32
    %dma_start3A_189 = arith.constant 0 : i32
    %dma_start3A_190 = tpu.memref_slice %arg3[%dma_start3A_188, %dma_start3A_189] : memref<1000000x32xf32, #tpu.memory_space<hbm>> -> memref<1000000x32xf32, #tpu.memory_space<hbm>>
    tpu.enqueue_indirect_dma source(%dma_start3A_190 : memref<1000000x32xf32, #tpu.memory_space<hbm>>) target(%dma_start3A_184 : memref<128x32xf32, #tpu.memory_space<vmem>>) offsets(%dma_start3A_187 : memref<128xi32, #tpu.memory_space<vmem>>) semaphore(%arg8 : memref<!tpu.dma_semaphore, #tpu.memory_space<semaphore_mem>>)
    %dma_start3A_191 = arith.constant 1 : i32
    %dma_start3A_192 = arith.constant 6 : i32
    %dma_start3A_193 = arith.constant 1 : i32
    %dma_start3A_194 = arith.constant 768 : i32
    %dma_start3A_195 = arith.constant 0 : i32
    %dma_start3A_196 = tpu.memref_slice %arg6[%dma_start3A_193, %dma_start3A_194, %dma_start3A_195] : memref<2x1024x32xf32, #tpu.memory_space<vmem>> -> memref<1x128x32xf32, #tpu.memory_space<vmem>>
    %dma_start3A_197 = tpu.memref_squeeze %dma_start3A_196 : memref<1x128x32xf32, #tpu.memory_space<vmem>> -> memref<128x32xf32, #tpu.memory_space<vmem>>
    %dma_start3A_198 = arith.constant 0 : i32
    %dma_start3A_199 = tpu.memref_slice %arg5[%dma_start3A_191, %dma_start3A_192, %dma_start3A_198] : memref<2x8x128xi32, #tpu.memory_space<vmem>> -> memref<1x1x128xi32, #tpu.memory_space<vmem>>
    %dma_start3A_200 = tpu.memref_squeeze %dma_start3A_199 : memref<1x1x128xi32, #tpu.memory_space<vmem>> -> memref<128xi32, #tpu.memory_space<vmem>>
    %dma_start3A_201 = arith.constant 0 : i32
    %dma_start3A_202 = arith.constant 0 : i32
    %dma_start3A_203 = tpu.memref_slice %arg3[%dma_start3A_201, %dma_start3A_202] : memref<1000000x32xf32, #tpu.memory_space<hbm>> -> memref<1000000x32xf32, #tpu.memory_space<hbm>>
    tpu.enqueue_indirect_dma source(%dma_start3A_203 : memref<1000000x32xf32, #tpu.memory_space<hbm>>) target(%dma_start3A_197 : memref<128x32xf32, #tpu.memory_space<vmem>>) offsets(%dma_start3A_200 : memref<128xi32, #tpu.memory_space<vmem>>) semaphore(%arg8 : memref<!tpu.dma_semaphore, #tpu.memory_space<semaphore_mem>>)
    %dma_start3A_204 = arith.constant 1 : i32
    %dma_start3A_205 = arith.constant 7 : i32
    %dma_start3A_206 = arith.constant 1 : i32
    %dma_start3A_207 = arith.constant 896 : i32
    %dma_start3A_208 = arith.constant 0 : i32
    %dma_start3A_209 = tpu.memref_slice %arg6[%dma_start3A_206, %dma_start3A_207, %dma_start3A_208] : memref<2x1024x32xf32, #tpu.memory_space<vmem>> -> memref<1x128x32xf32, #tpu.memory_space<vmem>>
    %dma_start3A_210 = tpu.memref_squeeze %dma_start3A_209 : memref<1x128x32xf32, #tpu.memory_space<vmem>> -> memref<128x32xf32, #tpu.memory_space<vmem>>
    %dma_start3A_211 = arith.constant 0 : i32
    %dma_start3A_212 = tpu.memref_slice %arg5[%dma_start3A_204, %dma_start3A_205, %dma_start3A_211] : memref<2x8x128xi32, #tpu.memory_space<vmem>> -> memref<1x1x128xi32, #tpu.memory_space<vmem>>
    %dma_start3A_213 = tpu.memref_squeeze %dma_start3A_212 : memref<1x1x128xi32, #tpu.memory_space<vmem>> -> memref<128xi32, #tpu.memory_space<vmem>>
    %dma_start3A_214 = arith.constant 0 : i32
    %dma_start3A_215 = arith.constant 0 : i32
    %dma_start3A_216 = tpu.memref_slice %arg3[%dma_start3A_214, %dma_start3A_215] : memref<1000000x32xf32, #tpu.memory_space<hbm>> -> memref<1000000x32xf32, #tpu.memory_space<hbm>>
    tpu.enqueue_indirect_dma source(%dma_start3A_216 : memref<1000000x32xf32, #tpu.memory_space<hbm>>) target(%dma_start3A_210 : memref<128x32xf32, #tpu.memory_space<vmem>>) offsets(%dma_start3A_213 : memref<128xi32, #tpu.memory_space<vmem>>) semaphore(%arg8 : memref<!tpu.dma_semaphore, #tpu.memory_space<semaphore_mem>>)
    %scan3A = arith.constant 0 : i32
    %scan3A_217 = arith.constant 0 : i32
    %scan3A_218 = arith.constant 49 : i32
    %scan3A_219 = arith.addi %scan3A_217, %scan3A_218 : i32
    %scan3A_220 = arith.constant 1 : i32
    scf.for %scan3A_257 = %scan3A_217 to %scan3A_219 step %scan3A_220  : i32 {
      %mul3A_258 = arith.constant 2 : i32
      %mul3A_259 = arith.muli %scan3A_257, %mul3A_258 : i32
      %add3A_260 = arith.constant 0 : i32
      %add3A_261 = arith.addi %mul3A_259, %add3A_260 : i32
      %dma_wait3A_262 = arith.constant 0 : i32
      %dma_wait3A_263 = arith.constant 0 : i32
      %dma_wait3A_264 = arith.constant 0 : i32
      %dma_wait3A_265 = tpu.memref_slice %arg6[%dma_wait3A_262, %dma_wait3A_263, %dma_wait3A_264] : memref<2x1024x32xf32, #tpu.memory_space<vmem>> -> memref<1x1024x32xf32, #tpu.memory_space<vmem>>
      %dma_wait3A_266 = tpu.memref_squeeze %dma_wait3A_265 : memref<1x1024x32xf32, #tpu.memory_space<vmem>> -> memref<1024x32xf32, #tpu.memory_space<vmem>>
      %dma_wait3A_267 = arith.constant 0 : i32
      %dma_wait3A_268 = arith.constant 0 : i32
      %dma_wait3A_269 = tpu.memref_slice %arg4[%dma_wait3A_267, %dma_wait3A_268] : memref<3276800x128xf32, #tpu.memory_space<hbm>> -> memref<1024x32xf32, #tpu.memory_space<hbm>>
      %dma_wait3A_270 = arith.constant 0 : i32
      %dma_wait3A_271 = arith.constant 0 : i32
      %dma_wait3A_272 = tpu.memref_slice %arg6[%dma_wait3A_262, %dma_wait3A_270, %dma_wait3A_271] : memref<2x1024x32xf32, #tpu.memory_space<vmem>> -> memref<1x1024x32xf32, #tpu.memory_space<vmem>>
      %dma_wait3A_273 = tpu.memref_squeeze %dma_wait3A_272 : memref<1x1024x32xf32, #tpu.memory_space<vmem>> -> memref<1024x32xf32, #tpu.memory_space<vmem>>
      %dma_wait3A_274 = arith.constant 0 : i32
      %dma_wait3A_275 = arith.constant 0 : i32
      %dma_wait3A_276 = tpu.memref_slice %arg4[%dma_wait3A_274, %dma_wait3A_275] : memref<3276800x128xf32, #tpu.memory_space<hbm>> -> memref<1024x32xf32, #tpu.memory_space<hbm>>
      tpu.wait_dma2 semaphore(%arg7 : memref<!tpu.dma_semaphore, #tpu.memory_space<semaphore_mem>>) src(%dma_wait3A_276 : memref<1024x32xf32, #tpu.memory_space<hbm>>) dst(%dma_wait3A_273 : memref<1024x32xf32, #tpu.memory_space<vmem>>)
      %mul3A_277 = arith.constant 1024 : i32
      %mul3A_278 = arith.muli %add3A_261, %mul3A_277 : i32
      %add3A_279 = arith.addi %mul3A_2, %mul3A_278 : i32
      %run_scoped3A_280 = arith.constant 0 : i32
      "tpu.region"() ({
        %run_scoped3A_524 = tpu.sem_alloc : memref<!tpu.dma_semaphore, #tpu.memory_space<semaphore_mem>>
        %dma_start3A_525 = arith.constant 0 : i32
        %dma_start3A_526 = arith.constant 0 : i32
        %dma_start3A_527 = tpu.memref_slice %arg6[%run_scoped3A_280, %dma_start3A_525, %dma_start3A_526] : memref<2x1024x32xf32, #tpu.memory_space<vmem>> -> memref<1x1024x32xf32, #tpu.memory_space<vmem>>
        %dma_start3A_528 = tpu.memref_squeeze %dma_start3A_527 : memref<1x1024x32xf32, #tpu.memory_space<vmem>> -> memref<1024x32xf32, #tpu.memory_space<vmem>>
        %dma_start3A_529 = arith.constant 0 : i32
        %dma_start3A_530 = tpu.memref_slice %arg4[%add3A_279, %dma_start3A_529] : memref<3276800x128xf32, #tpu.memory_space<hbm>> -> memref<1024x32xf32, #tpu.memory_space<hbm>>
        %dma_start3A_531 = arith.constant 0 : i32
        %dma_start3A_532 = tpu.memref_slice %arg4[%add3A_279, %dma_start3A_531] : memref<3276800x128xf32, #tpu.memory_space<hbm>> -> memref<1024x32xf32, #tpu.memory_space<hbm>>
        %dma_start3A_533 = arith.constant 0 : i32
        %dma_start3A_534 = arith.constant 0 : i32
        %dma_start3A_535 = tpu.memref_slice %arg6[%run_scoped3A_280, %dma_start3A_533, %dma_start3A_534] : memref<2x1024x32xf32, #tpu.memory_space<vmem>> -> memref<1x1024x32xf32, #tpu.memory_space<vmem>>
        %dma_start3A_536 = tpu.memref_squeeze %dma_start3A_535 : memref<1x1024x32xf32, #tpu.memory_space<vmem>> -> memref<1024x32xf32, #tpu.memory_space<vmem>>
        tpu.enqueue_dma source(%dma_start3A_536 : memref<1024x32xf32, #tpu.memory_space<vmem>>) target(%dma_start3A_532 : memref<1024x32xf32, #tpu.memory_space<hbm>>) target_semaphore(%run_scoped3A_524 : memref<!tpu.dma_semaphore, #tpu.memory_space<semaphore_mem>>)
        %dma_wait3A_537 = arith.constant 0 : i32
        %dma_wait3A_538 = arith.constant 0 : i32
        %dma_wait3A_539 = tpu.memref_slice %arg6[%run_scoped3A_280, %dma_wait3A_537, %dma_wait3A_538] : memref<2x1024x32xf32, #tpu.memory_space<vmem>> -> memref<1x1024x32xf32, #tpu.memory_space<vmem>>
        %dma_wait3A_540 = tpu.memref_squeeze %dma_wait3A_539 : memref<1x1024x32xf32, #tpu.memory_space<vmem>> -> memref<1024x32xf32, #tpu.memory_space<vmem>>
        %dma_wait3A_541 = arith.constant 0 : i32
        %dma_wait3A_542 = tpu.memref_slice %arg4[%add3A_279, %dma_wait3A_541] : memref<3276800x128xf32, #tpu.memory_space<hbm>> -> memref<1024x32xf32, #tpu.memory_space<hbm>>
        %dma_wait3A_543 = arith.constant 0 : i32
        %dma_wait3A_544 = tpu.memref_slice %arg4[%add3A_279, %dma_wait3A_543] : memref<3276800x128xf32, #tpu.memory_space<hbm>> -> memref<1024x32xf32, #tpu.memory_space<hbm>>
        %dma_wait3A_545 = arith.constant 0 : i32
        %dma_wait3A_546 = arith.constant 0 : i32
        %dma_wait3A_547 = tpu.memref_slice %arg6[%run_scoped3A_280, %dma_wait3A_545, %dma_wait3A_546] : memref<2x1024x32xf32, #tpu.memory_space<vmem>> -> memref<1x1024x32xf32, #tpu.memory_space<vmem>>
        %dma_wait3A_548 = tpu.memref_squeeze %dma_wait3A_547 : memref<1x1024x32xf32, #tpu.memory_space<vmem>> -> memref<1024x32xf32, #tpu.memory_space<vmem>>
        tpu.wait_dma2 semaphore(%run_scoped3A_524 : memref<!tpu.dma_semaphore, #tpu.memory_space<semaphore_mem>>) src(%dma_wait3A_548 : memref<1024x32xf32, #tpu.memory_space<vmem>>) dst(%dma_wait3A_544 : memref<1024x32xf32, #tpu.memory_space<hbm>>)
        tpu.yield
      }) : () -> ()
      %add3A_281 = arith.constant 2 : i32
      %add3A_282 = arith.addi %add3A_261, %add3A_281 : i32
      %mul3A_283 = arith.constant 8 : i32
      %mul3A_284 = arith.muli %add3A_282, %mul3A_283 : i32
      %add3A_285 = arith.addi %mul3A_4, %mul3A_284 : i32
      %run_scoped3A_286 = arith.constant 0 : i32
      "tpu.region"() ({
        %run_scoped3A_524 = tpu.sem_alloc : memref<!tpu.dma_semaphore, #tpu.memory_space<semaphore_mem>>
        %dma_start3A_525 = arith.constant 0 : i32
        %dma_start3A_526 = arith.constant 0 : i32
        %dma_start3A_527 = tpu.memref_slice %arg5[%run_scoped3A_286, %dma_start3A_525, %dma_start3A_526] : memref<2x8x128xi32, #tpu.memory_space<vmem>> -> memref<1x8x128xi32, #tpu.memory_space<vmem>>
        %dma_start3A_528 = tpu.memref_squeeze %dma_start3A_527 : memref<1x8x128xi32, #tpu.memory_space<vmem>> -> memref<8x128xi32, #tpu.memory_space<vmem>>
        %dma_start3A_529 = arith.constant 0 : i32
        %dma_start3A_530 = tpu.memref_slice %arg2[%add3A_285, %dma_start3A_529] : memref<25600x128xi32, #tpu.memory_space<hbm>> -> memref<8x128xi32, #tpu.memory_space<hbm>>
        %dma_start3A_531 = arith.constant 0 : i32
        %dma_start3A_532 = arith.constant 0 : i32
        %dma_start3A_533 = tpu.memref_slice %arg5[%run_scoped3A_286, %dma_start3A_531, %dma_start3A_532] : memref<2x8x128xi32, #tpu.memory_space<vmem>> -> memref<1x8x128xi32, #tpu.memory_space<vmem>>
        %dma_start3A_534 = tpu.memref_squeeze %dma_start3A_533 : memref<1x8x128xi32, #tpu.memory_space<vmem>> -> memref<8x128xi32, #tpu.memory_space<vmem>>
        %dma_start3A_535 = arith.constant 0 : i32
        %dma_start3A_536 = tpu.memref_slice %arg2[%add3A_285, %dma_start3A_535] : memref<25600x128xi32, #tpu.memory_space<hbm>> -> memref<8x128xi32, #tpu.memory_space<hbm>>
        tpu.enqueue_dma source(%dma_start3A_536 : memref<8x128xi32, #tpu.memory_space<hbm>>) target(%dma_start3A_534 : memref<8x128xi32, #tpu.memory_space<vmem>>) target_semaphore(%run_scoped3A_524 : memref<!tpu.dma_semaphore, #tpu.memory_space<semaphore_mem>>)
        %dma_wait3A_537 = arith.constant 0 : i32
        %dma_wait3A_538 = arith.constant 0 : i32
        %dma_wait3A_539 = tpu.memref_slice %arg5[%run_scoped3A_286, %dma_wait3A_537, %dma_wait3A_538] : memref<2x8x128xi32, #tpu.memory_space<vmem>> -> memref<1x8x128xi32, #tpu.memory_space<vmem>>
        %dma_wait3A_540 = tpu.memref_squeeze %dma_wait3A_539 : memref<1x8x128xi32, #tpu.memory_space<vmem>> -> memref<8x128xi32, #tpu.memory_space<vmem>>
        %dma_wait3A_541 = arith.constant 0 : i32
        %dma_wait3A_542 = tpu.memref_slice %arg2[%add3A_285, %dma_wait3A_541] : memref<25600x128xi32, #tpu.memory_space<hbm>> -> memref<8x128xi32, #tpu.memory_space<hbm>>
        %dma_wait3A_543 = arith.constant 0 : i32
        %dma_wait3A_544 = arith.constant 0 : i32
        %dma_wait3A_545 = tpu.memref_slice %arg5[%run_scoped3A_286, %dma_wait3A_543, %dma_wait3A_544] : memref<2x8x128xi32, #tpu.memory_space<vmem>> -> memref<1x8x128xi32, #tpu.memory_space<vmem>>
        %dma_wait3A_546 = tpu.memref_squeeze %dma_wait3A_545 : memref<1x8x128xi32, #tpu.memory_space<vmem>> -> memref<8x128xi32, #tpu.memory_space<vmem>>
        %dma_wait3A_547 = arith.constant 0 : i32
        %dma_wait3A_548 = tpu.memref_slice %arg2[%add3A_285, %dma_wait3A_547] : memref<25600x128xi32, #tpu.memory_space<hbm>> -> memref<8x128xi32, #tpu.memory_space<hbm>>
        tpu.wait_dma2 semaphore(%run_scoped3A_524 : memref<!tpu.dma_semaphore, #tpu.memory_space<semaphore_mem>>) src(%dma_wait3A_548 : memref<8x128xi32, #tpu.memory_space<hbm>>) dst(%dma_wait3A_546 : memref<8x128xi32, #tpu.memory_space<vmem>>)
        tpu.yield
      }) : () -> ()
      %dma_start3A_287 = arith.constant 0 : i32
      %dma_start3A_288 = arith.constant 0 : i32
      %dma_start3A_289 = arith.constant 0 : i32
      %dma_start3A_290 = arith.constant 0 : i32
      %dma_start3A_291 = arith.constant 0 : i32
      %dma_start3A_292 = tpu.memref_slice %arg6[%dma_start3A_289, %dma_start3A_290, %dma_start3A_291] : memref<2x1024x32xf32, #tpu.memory_space<vmem>> -> memref<1x128x32xf32, #tpu.memory_space<vmem>>
      %dma_start3A_293 = tpu.memref_squeeze %dma_start3A_292 : memref<1x128x32xf32, #tpu.memory_space<vmem>> -> memref<128x32xf32, #tpu.memory_space<vmem>>
      %dma_start3A_294 = arith.constant 0 : i32
      %dma_start3A_295 = tpu.memref_slice %arg5[%dma_start3A_287, %dma_start3A_288, %dma_start3A_294] : memref<2x8x128xi32, #tpu.memory_space<vmem>> -> memref<1x1x128xi32, #tpu.memory_space<vmem>>
      %dma_start3A_296 = tpu.memref_squeeze %dma_start3A_295 : memref<1x1x128xi32, #tpu.memory_space<vmem>> -> memref<128xi32, #tpu.memory_space<vmem>>
      %dma_start3A_297 = arith.constant 0 : i32
      %dma_start3A_298 = arith.constant 0 : i32
      %dma_start3A_299 = tpu.memref_slice %arg3[%dma_start3A_297, %dma_start3A_298] : memref<1000000x32xf32, #tpu.memory_space<hbm>> -> memref<1000000x32xf32, #tpu.memory_space<hbm>>
      tpu.enqueue_indirect_dma source(%dma_start3A_299 : memref<1000000x32xf32, #tpu.memory_space<hbm>>) target(%dma_start3A_293 : memref<128x32xf32, #tpu.memory_space<vmem>>) offsets(%dma_start3A_296 : memref<128xi32, #tpu.memory_space<vmem>>) semaphore(%arg7 : memref<!tpu.dma_semaphore, #tpu.memory_space<semaphore_mem>>)
      %dma_start3A_300 = arith.constant 0 : i32
      %dma_start3A_301 = arith.constant 1 : i32
      %dma_start3A_302 = arith.constant 0 : i32
      %dma_start3A_303 = arith.constant 128 : i32
      %dma_start3A_304 = arith.constant 0 : i32
      %dma_start3A_305 = tpu.memref_slice %arg6[%dma_start3A_302, %dma_start3A_303, %dma_start3A_304] : memref<2x1024x32xf32, #tpu.memory_space<vmem>> -> memref<1x128x32xf32, #tpu.memory_space<vmem>>
      %dma_start3A_306 = tpu.memref_squeeze %dma_start3A_305 : memref<1x128x32xf32, #tpu.memory_space<vmem>> -> memref<128x32xf32, #tpu.memory_space<vmem>>
      %dma_start3A_307 = arith.constant 0 : i32
      %dma_start3A_308 = tpu.memref_slice %arg5[%dma_start3A_300, %dma_start3A_301, %dma_start3A_307] : memref<2x8x128xi32, #tpu.memory_space<vmem>> -> memref<1x1x128xi32, #tpu.memory_space<vmem>>
      %dma_start3A_309 = tpu.memref_squeeze %dma_start3A_308 : memref<1x1x128xi32, #tpu.memory_space<vmem>> -> memref<128xi32, #tpu.memory_space<vmem>>
      %dma_start3A_310 = arith.constant 0 : i32
      %dma_start3A_311 = arith.constant 0 : i32
      %dma_start3A_312 = tpu.memref_slice %arg3[%dma_start3A_310, %dma_start3A_311] : memref<1000000x32xf32, #tpu.memory_space<hbm>> -> memref<1000000x32xf32, #tpu.memory_space<hbm>>
      tpu.enqueue_indirect_dma source(%dma_start3A_312 : memref<1000000x32xf32, #tpu.memory_space<hbm>>) target(%dma_start3A_306 : memref<128x32xf32, #tpu.memory_space<vmem>>) offsets(%dma_start3A_309 : memref<128xi32, #tpu.memory_space<vmem>>) semaphore(%arg7 : memref<!tpu.dma_semaphore, #tpu.memory_space<semaphore_mem>>)
      %dma_start3A_313 = arith.constant 0 : i32
      %dma_start3A_314 = arith.constant 2 : i32
      %dma_start3A_315 = arith.constant 0 : i32
      %dma_start3A_316 = arith.constant 256 : i32
      %dma_start3A_317 = arith.constant 0 : i32
      %dma_start3A_318 = tpu.memref_slice %arg6[%dma_start3A_315, %dma_start3A_316, %dma_start3A_317] : memref<2x1024x32xf32, #tpu.memory_space<vmem>> -> memref<1x128x32xf32, #tpu.memory_space<vmem>>
      %dma_start3A_319 = tpu.memref_squeeze %dma_start3A_318 : memref<1x128x32xf32, #tpu.memory_space<vmem>> -> memref<128x32xf32, #tpu.memory_space<vmem>>
      %dma_start3A_320 = arith.constant 0 : i32
      %dma_start3A_321 = tpu.memref_slice %arg5[%dma_start3A_313, %dma_start3A_314, %dma_start3A_320] : memref<2x8x128xi32, #tpu.memory_space<vmem>> -> memref<1x1x128xi32, #tpu.memory_space<vmem>>
      %dma_start3A_322 = tpu.memref_squeeze %dma_start3A_321 : memref<1x1x128xi32, #tpu.memory_space<vmem>> -> memref<128xi32, #tpu.memory_space<vmem>>
      %dma_start3A_323 = arith.constant 0 : i32
      %dma_start3A_324 = arith.constant 0 : i32
      %dma_start3A_325 = tpu.memref_slice %arg3[%dma_start3A_323, %dma_start3A_324] : memref<1000000x32xf32, #tpu.memory_space<hbm>> -> memref<1000000x32xf32, #tpu.memory_space<hbm>>
      tpu.enqueue_indirect_dma source(%dma_start3A_325 : memref<1000000x32xf32, #tpu.memory_space<hbm>>) target(%dma_start3A_319 : memref<128x32xf32, #tpu.memory_space<vmem>>) offsets(%dma_start3A_322 : memref<128xi32, #tpu.memory_space<vmem>>) semaphore(%arg7 : memref<!tpu.dma_semaphore, #tpu.memory_space<semaphore_mem>>)
      %dma_start3A_326 = arith.constant 0 : i32
      %dma_start3A_327 = arith.constant 3 : i32
      %dma_start3A_328 = arith.constant 0 : i32
      %dma_start3A_329 = arith.constant 384 : i32
      %dma_start3A_330 = arith.constant 0 : i32
      %dma_start3A_331 = tpu.memref_slice %arg6[%dma_start3A_328, %dma_start3A_329, %dma_start3A_330] : memref<2x1024x32xf32, #tpu.memory_space<vmem>> -> memref<1x128x32xf32, #tpu.memory_space<vmem>>
      %dma_start3A_332 = tpu.memref_squeeze %dma_start3A_331 : memref<1x128x32xf32, #tpu.memory_space<vmem>> -> memref<128x32xf32, #tpu.memory_space<vmem>>
      %dma_start3A_333 = arith.constant 0 : i32
      %dma_start3A_334 = tpu.memref_slice %arg5[%dma_start3A_326, %dma_start3A_327, %dma_start3A_333] : memref<2x8x128xi32, #tpu.memory_space<vmem>> -> memref<1x1x128xi32, #tpu.memory_space<vmem>>
      %dma_start3A_335 = tpu.memref_squeeze %dma_start3A_334 : memref<1x1x128xi32, #tpu.memory_space<vmem>> -> memref<128xi32, #tpu.memory_space<vmem>>
      %dma_start3A_336 = arith.constant 0 : i32
      %dma_start3A_337 = arith.constant 0 : i32
      %dma_start3A_338 = tpu.memref_slice %arg3[%dma_start3A_336, %dma_start3A_337] : memref<1000000x32xf32, #tpu.memory_space<hbm>> -> memref<1000000x32xf32, #tpu.memory_space<hbm>>
      tpu.enqueue_indirect_dma source(%dma_start3A_338 : memref<1000000x32xf32, #tpu.memory_space<hbm>>) target(%dma_start3A_332 : memref<128x32xf32, #tpu.memory_space<vmem>>) offsets(%dma_start3A_335 : memref<128xi32, #tpu.memory_space<vmem>>) semaphore(%arg7 : memref<!tpu.dma_semaphore, #tpu.memory_space<semaphore_mem>>)
      %dma_start3A_339 = arith.constant 0 : i32
      %dma_start3A_340 = arith.constant 4 : i32
      %dma_start3A_341 = arith.constant 0 : i32
      %dma_start3A_342 = arith.constant 512 : i32
      %dma_start3A_343 = arith.constant 0 : i32
      %dma_start3A_344 = tpu.memref_slice %arg6[%dma_start3A_341, %dma_start3A_342, %dma_start3A_343] : memref<2x1024x32xf32, #tpu.memory_space<vmem>> -> memref<1x128x32xf32, #tpu.memory_space<vmem>>
      %dma_start3A_345 = tpu.memref_squeeze %dma_start3A_344 : memref<1x128x32xf32, #tpu.memory_space<vmem>> -> memref<128x32xf32, #tpu.memory_space<vmem>>
      %dma_start3A_346 = arith.constant 0 : i32
      %dma_start3A_347 = tpu.memref_slice %arg5[%dma_start3A_339, %dma_start3A_340, %dma_start3A_346] : memref<2x8x128xi32, #tpu.memory_space<vmem>> -> memref<1x1x128xi32, #tpu.memory_space<vmem>>
      %dma_start3A_348 = tpu.memref_squeeze %dma_start3A_347 : memref<1x1x128xi32, #tpu.memory_space<vmem>> -> memref<128xi32, #tpu.memory_space<vmem>>
      %dma_start3A_349 = arith.constant 0 : i32
      %dma_start3A_350 = arith.constant 0 : i32
      %dma_start3A_351 = tpu.memref_slice %arg3[%dma_start3A_349, %dma_start3A_350] : memref<1000000x32xf32, #tpu.memory_space<hbm>> -> memref<1000000x32xf32, #tpu.memory_space<hbm>>
      tpu.enqueue_indirect_dma source(%dma_start3A_351 : memref<1000000x32xf32, #tpu.memory_space<hbm>>) target(%dma_start3A_345 : memref<128x32xf32, #tpu.memory_space<vmem>>) offsets(%dma_start3A_348 : memref<128xi32, #tpu.memory_space<vmem>>) semaphore(%arg7 : memref<!tpu.dma_semaphore, #tpu.memory_space<semaphore_mem>>)
      %dma_start3A_352 = arith.constant 0 : i32
      %dma_start3A_353 = arith.constant 5 : i32
      %dma_start3A_354 = arith.constant 0 : i32
      %dma_start3A_355 = arith.constant 640 : i32
      %dma_start3A_356 = arith.constant 0 : i32
      %dma_start3A_357 = tpu.memref_slice %arg6[%dma_start3A_354, %dma_start3A_355, %dma_start3A_356] : memref<2x1024x32xf32, #tpu.memory_space<vmem>> -> memref<1x128x32xf32, #tpu.memory_space<vmem>>
      %dma_start3A_358 = tpu.memref_squeeze %dma_start3A_357 : memref<1x128x32xf32, #tpu.memory_space<vmem>> -> memref<128x32xf32, #tpu.memory_space<vmem>>
      %dma_start3A_359 = arith.constant 0 : i32
      %dma_start3A_360 = tpu.memref_slice %arg5[%dma_start3A_352, %dma_start3A_353, %dma_start3A_359] : memref<2x8x128xi32, #tpu.memory_space<vmem>> -> memref<1x1x128xi32, #tpu.memory_space<vmem>>
      %dma_start3A_361 = tpu.memref_squeeze %dma_start3A_360 : memref<1x1x128xi32, #tpu.memory_space<vmem>> -> memref<128xi32, #tpu.memory_space<vmem>>
      %dma_start3A_362 = arith.constant 0 : i32
      %dma_start3A_363 = arith.constant 0 : i32
      %dma_start3A_364 = tpu.memref_slice %arg3[%dma_start3A_362, %dma_start3A_363] : memref<1000000x32xf32, #tpu.memory_space<hbm>> -> memref<1000000x32xf32, #tpu.memory_space<hbm>>
      tpu.enqueue_indirect_dma source(%dma_start3A_364 : memref<1000000x32xf32, #tpu.memory_space<hbm>>) target(%dma_start3A_358 : memref<128x32xf32, #tpu.memory_space<vmem>>) offsets(%dma_start3A_361 : memref<128xi32, #tpu.memory_space<vmem>>) semaphore(%arg7 : memref<!tpu.dma_semaphore, #tpu.memory_space<semaphore_mem>>)
      %dma_start3A_365 = arith.constant 0 : i32
      %dma_start3A_366 = arith.constant 6 : i32
      %dma_start3A_367 = arith.constant 0 : i32
      %dma_start3A_368 = arith.constant 768 : i32
      %dma_start3A_369 = arith.constant 0 : i32
      %dma_start3A_370 = tpu.memref_slice %arg6[%dma_start3A_367, %dma_start3A_368, %dma_start3A_369] : memref<2x1024x32xf32, #tpu.memory_space<vmem>> -> memref<1x128x32xf32, #tpu.memory_space<vmem>>
      %dma_start3A_371 = tpu.memref_squeeze %dma_start3A_370 : memref<1x128x32xf32, #tpu.memory_space<vmem>> -> memref<128x32xf32, #tpu.memory_space<vmem>>
      %dma_start3A_372 = arith.constant 0 : i32
      %dma_start3A_373 = tpu.memref_slice %arg5[%dma_start3A_365, %dma_start3A_366, %dma_start3A_372] : memref<2x8x128xi32, #tpu.memory_space<vmem>> -> memref<1x1x128xi32, #tpu.memory_space<vmem>>
      %dma_start3A_374 = tpu.memref_squeeze %dma_start3A_373 : memref<1x1x128xi32, #tpu.memory_space<vmem>> -> memref<128xi32, #tpu.memory_space<vmem>>
      %dma_start3A_375 = arith.constant 0 : i32
      %dma_start3A_376 = arith.constant 0 : i32
      %dma_start3A_377 = tpu.memref_slice %arg3[%dma_start3A_375, %dma_start3A_376] : memref<1000000x32xf32, #tpu.memory_space<hbm>> -> memref<1000000x32xf32, #tpu.memory_space<hbm>>
      tpu.enqueue_indirect_dma source(%dma_start3A_377 : memref<1000000x32xf32, #tpu.memory_space<hbm>>) target(%dma_start3A_371 : memref<128x32xf32, #tpu.memory_space<vmem>>) offsets(%dma_start3A_374 : memref<128xi32, #tpu.memory_space<vmem>>) semaphore(%arg7 : memref<!tpu.dma_semaphore, #tpu.memory_space<semaphore_mem>>)
      %dma_start3A_378 = arith.constant 0 : i32
      %dma_start3A_379 = arith.constant 7 : i32
      %dma_start3A_380 = arith.constant 0 : i32
      %dma_start3A_381 = arith.constant 896 : i32
      %dma_start3A_382 = arith.constant 0 : i32
      %dma_start3A_383 = tpu.memref_slice %arg6[%dma_start3A_380, %dma_start3A_381, %dma_start3A_382] : memref<2x1024x32xf32, #tpu.memory_space<vmem>> -> memref<1x128x32xf32, #tpu.memory_space<vmem>>
      %dma_start3A_384 = tpu.memref_squeeze %dma_start3A_383 : memref<1x128x32xf32, #tpu.memory_space<vmem>> -> memref<128x32xf32, #tpu.memory_space<vmem>>
      %dma_start3A_385 = arith.constant 0 : i32
      %dma_start3A_386 = tpu.memref_slice %arg5[%dma_start3A_378, %dma_start3A_379, %dma_start3A_385] : memref<2x8x128xi32, #tpu.memory_space<vmem>> -> memref<1x1x128xi32, #tpu.memory_space<vmem>>
      %dma_start3A_387 = tpu.memref_squeeze %dma_start3A_386 : memref<1x1x128xi32, #tpu.memory_space<vmem>> -> memref<128xi32, #tpu.memory_space<vmem>>
      %dma_start3A_388 = arith.constant 0 : i32
      %dma_start3A_389 = arith.constant 0 : i32
      %dma_start3A_390 = tpu.memref_slice %arg3[%dma_start3A_388, %dma_start3A_389] : memref<1000000x32xf32, #tpu.memory_space<hbm>> -> memref<1000000x32xf32, #tpu.memory_space<hbm>>
      tpu.enqueue_indirect_dma source(%dma_start3A_390 : memref<1000000x32xf32, #tpu.memory_space<hbm>>) target(%dma_start3A_384 : memref<128x32xf32, #tpu.memory_space<vmem>>) offsets(%dma_start3A_387 : memref<128xi32, #tpu.memory_space<vmem>>) semaphore(%arg7 : memref<!tpu.dma_semaphore, #tpu.memory_space<semaphore_mem>>)
      %mul3A_391 = arith.constant 2 : i32
      %mul3A_392 = arith.muli %scan3A_257, %mul3A_391 : i32
      %add3A_393 = arith.constant 1 : i32
      %add3A_394 = arith.addi %mul3A_392, %add3A_393 : i32
      %dma_wait3A_395 = arith.constant 1 : i32
      %dma_wait3A_396 = arith.constant 0 : i32
      %dma_wait3A_397 = arith.constant 0 : i32
      %dma_wait3A_398 = tpu.memref_slice %arg6[%dma_wait3A_395, %dma_wait3A_396, %dma_wait3A_397] : memref<2x1024x32xf32, #tpu.memory_space<vmem>> -> memref<1x1024x32xf32, #tpu.memory_space<vmem>>
      %dma_wait3A_399 = tpu.memref_squeeze %dma_wait3A_398 : memref<1x1024x32xf32, #tpu.memory_space<vmem>> -> memref<1024x32xf32, #tpu.memory_space<vmem>>
      %dma_wait3A_400 = arith.constant 0 : i32
      %dma_wait3A_401 = arith.constant 0 : i32
      %dma_wait3A_402 = tpu.memref_slice %arg4[%dma_wait3A_400, %dma_wait3A_401] : memref<3276800x128xf32, #tpu.memory_space<hbm>> -> memref<1024x32xf32, #tpu.memory_space<hbm>>
      %dma_wait3A_403 = arith.constant 0 : i32
      %dma_wait3A_404 = arith.constant 0 : i32
      %dma_wait3A_405 = tpu.memref_slice %arg6[%dma_wait3A_395, %dma_wait3A_403, %dma_wait3A_404] : memref<2x1024x32xf32, #tpu.memory_space<vmem>> -> memref<1x1024x32xf32, #tpu.memory_space<vmem>>
      %dma_wait3A_406 = tpu.memref_squeeze %dma_wait3A_405 : memref<1x1024x32xf32, #tpu.memory_space<vmem>> -> memref<1024x32xf32, #tpu.memory_space<vmem>>
      %dma_wait3A_407 = arith.constant 0 : i32
      %dma_wait3A_408 = arith.constant 0 : i32
      %dma_wait3A_409 = tpu.memref_slice %arg4[%dma_wait3A_407, %dma_wait3A_408] : memref<3276800x128xf32, #tpu.memory_space<hbm>> -> memref<1024x32xf32, #tpu.memory_space<hbm>>
      tpu.wait_dma2 semaphore(%arg8 : memref<!tpu.dma_semaphore, #tpu.memory_space<semaphore_mem>>) src(%dma_wait3A_409 : memref<1024x32xf32, #tpu.memory_space<hbm>>) dst(%dma_wait3A_406 : memref<1024x32xf32, #tpu.memory_space<vmem>>)
      %mul3A_410 = arith.constant 1024 : i32
      %mul3A_411 = arith.muli %add3A_394, %mul3A_410 : i32
      %add3A_412 = arith.addi %mul3A_2, %mul3A_411 : i32
      %run_scoped3A_413 = arith.constant 1 : i32
      "tpu.region"() ({
        %run_scoped3A_524 = tpu.sem_alloc : memref<!tpu.dma_semaphore, #tpu.memory_space<semaphore_mem>>
        %dma_start3A_525 = arith.constant 0 : i32
        %dma_start3A_526 = arith.constant 0 : i32
        %dma_start3A_527 = tpu.memref_slice %arg6[%run_scoped3A_413, %dma_start3A_525, %dma_start3A_526] : memref<2x1024x32xf32, #tpu.memory_space<vmem>> -> memref<1x1024x32xf32, #tpu.memory_space<vmem>>
        %dma_start3A_528 = tpu.memref_squeeze %dma_start3A_527 : memref<1x1024x32xf32, #tpu.memory_space<vmem>> -> memref<1024x32xf32, #tpu.memory_space<vmem>>
        %dma_start3A_529 = arith.constant 0 : i32
        %dma_start3A_530 = tpu.memref_slice %arg4[%add3A_412, %dma_start3A_529] : memref<3276800x128xf32, #tpu.memory_space<hbm>> -> memref<1024x32xf32, #tpu.memory_space<hbm>>
        %dma_start3A_531 = arith.constant 0 : i32
        %dma_start3A_532 = tpu.memref_slice %arg4[%add3A_412, %dma_start3A_531] : memref<3276800x128xf32, #tpu.memory_space<hbm>> -> memref<1024x32xf32, #tpu.memory_space<hbm>>
        %dma_start3A_533 = arith.constant 0 : i32
        %dma_start3A_534 = arith.constant 0 : i32
        %dma_start3A_535 = tpu.memref_slice %arg6[%run_scoped3A_413, %dma_start3A_533, %dma_start3A_534] : memref<2x1024x32xf32, #tpu.memory_space<vmem>> -> memref<1x1024x32xf32, #tpu.memory_space<vmem>>
        %dma_start3A_536 = tpu.memref_squeeze %dma_start3A_535 : memref<1x1024x32xf32, #tpu.memory_space<vmem>> -> memref<1024x32xf32, #tpu.memory_space<vmem>>
        tpu.enqueue_dma source(%dma_start3A_536 : memref<1024x32xf32, #tpu.memory_space<vmem>>) target(%dma_start3A_532 : memref<1024x32xf32, #tpu.memory_space<hbm>>) target_semaphore(%run_scoped3A_524 : memref<!tpu.dma_semaphore, #tpu.memory_space<semaphore_mem>>)
        %dma_wait3A_537 = arith.constant 0 : i32
        %dma_wait3A_538 = arith.constant 0 : i32
        %dma_wait3A_539 = tpu.memref_slice %arg6[%run_scoped3A_413, %dma_wait3A_537, %dma_wait3A_538] : memref<2x1024x32xf32, #tpu.memory_space<vmem>> -> memref<1x1024x32xf32, #tpu.memory_space<vmem>>
        %dma_wait3A_540 = tpu.memref_squeeze %dma_wait3A_539 : memref<1x1024x32xf32, #tpu.memory_space<vmem>> -> memref<1024x32xf32, #tpu.memory_space<vmem>>
        %dma_wait3A_541 = arith.constant 0 : i32
        %dma_wait3A_542 = tpu.memref_slice %arg4[%add3A_412, %dma_wait3A_541] : memref<3276800x128xf32, #tpu.memory_space<hbm>> -> memref<1024x32xf32, #tpu.memory_space<hbm>>
        %dma_wait3A_543 = arith.constant 0 : i32
        %dma_wait3A_544 = tpu.memref_slice %arg4[%add3A_412, %dma_wait3A_543] : memref<3276800x128xf32, #tpu.memory_space<hbm>> -> memref<1024x32xf32, #tpu.memory_space<hbm>>
        %dma_wait3A_545 = arith.constant 0 : i32
        %dma_wait3A_546 = arith.constant 0 : i32
        %dma_wait3A_547 = tpu.memref_slice %arg6[%run_scoped3A_413, %dma_wait3A_545, %dma_wait3A_546] : memref<2x1024x32xf32, #tpu.memory_space<vmem>> -> memref<1x1024x32xf32, #tpu.memory_space<vmem>>
        %dma_wait3A_548 = tpu.memref_squeeze %dma_wait3A_547 : memref<1x1024x32xf32, #tpu.memory_space<vmem>> -> memref<1024x32xf32, #tpu.memory_space<vmem>>
        tpu.wait_dma2 semaphore(%run_scoped3A_524 : memref<!tpu.dma_semaphore, #tpu.memory_space<semaphore_mem>>) src(%dma_wait3A_548 : memref<1024x32xf32, #tpu.memory_space<vmem>>) dst(%dma_wait3A_544 : memref<1024x32xf32, #tpu.memory_space<hbm>>)
        tpu.yield
      }) : () -> ()
      %add3A_414 = arith.constant 2 : i32
      %add3A_415 = arith.addi %add3A_394, %add3A_414 : i32
      %mul3A_416 = arith.constant 8 : i32
      %mul3A_417 = arith.muli %add3A_415, %mul3A_416 : i32
      %add3A_418 = arith.addi %mul3A_4, %mul3A_417 : i32
      %run_scoped3A_419 = arith.constant 1 : i32
      "tpu.region"() ({
        %run_scoped3A_524 = tpu.sem_alloc : memref<!tpu.dma_semaphore, #tpu.memory_space<semaphore_mem>>
        %dma_start3A_525 = arith.constant 0 : i32
        %dma_start3A_526 = arith.constant 0 : i32
        %dma_start3A_527 = tpu.memref_slice %arg5[%run_scoped3A_419, %dma_start3A_525, %dma_start3A_526] : memref<2x8x128xi32, #tpu.memory_space<vmem>> -> memref<1x8x128xi32, #tpu.memory_space<vmem>>
        %dma_start3A_528 = tpu.memref_squeeze %dma_start3A_527 : memref<1x8x128xi32, #tpu.memory_space<vmem>> -> memref<8x128xi32, #tpu.memory_space<vmem>>
        %dma_start3A_529 = arith.constant 0 : i32
        %dma_start3A_530 = tpu.memref_slice %arg2[%add3A_418, %dma_start3A_529] : memref<25600x128xi32, #tpu.memory_space<hbm>> -> memref<8x128xi32, #tpu.memory_space<hbm>>
        %dma_start3A_531 = arith.constant 0 : i32
        %dma_start3A_532 = arith.constant 0 : i32
        %dma_start3A_533 = tpu.memref_slice %arg5[%run_scoped3A_419, %dma_start3A_531, %dma_start3A_532] : memref<2x8x128xi32, #tpu.memory_space<vmem>> -> memref<1x8x128xi32, #tpu.memory_space<vmem>>
        %dma_start3A_534 = tpu.memref_squeeze %dma_start3A_533 : memref<1x8x128xi32, #tpu.memory_space<vmem>> -> memref<8x128xi32, #tpu.memory_space<vmem>>
        %dma_start3A_535 = arith.constant 0 : i32
        %dma_start3A_536 = tpu.memref_slice %arg2[%add3A_418, %dma_start3A_535] : memref<25600x128xi32, #tpu.memory_space<hbm>> -> memref<8x128xi32, #tpu.memory_space<hbm>>
        tpu.enqueue_dma source(%dma_start3A_536 : memref<8x128xi32, #tpu.memory_space<hbm>>) target(%dma_start3A_534 : memref<8x128xi32, #tpu.memory_space<vmem>>) target_semaphore(%run_scoped3A_524 : memref<!tpu.dma_semaphore, #tpu.memory_space<semaphore_mem>>)
        %dma_wait3A_537 = arith.constant 0 : i32
        %dma_wait3A_538 = arith.constant 0 : i32
        %dma_wait3A_539 = tpu.memref_slice %arg5[%run_scoped3A_419, %dma_wait3A_537, %dma_wait3A_538] : memref<2x8x128xi32, #tpu.memory_space<vmem>> -> memref<1x8x128xi32, #tpu.memory_space<vmem>>
        %dma_wait3A_540 = tpu.memref_squeeze %dma_wait3A_539 : memref<1x8x128xi32, #tpu.memory_space<vmem>> -> memref<8x128xi32, #tpu.memory_space<vmem>>
        %dma_wait3A_541 = arith.constant 0 : i32
        %dma_wait3A_542 = tpu.memref_slice %arg2[%add3A_418, %dma_wait3A_541] : memref<25600x128xi32, #tpu.memory_space<hbm>> -> memref<8x128xi32, #tpu.memory_space<hbm>>
        %dma_wait3A_543 = arith.constant 0 : i32
        %dma_wait3A_544 = arith.constant 0 : i32
        %dma_wait3A_545 = tpu.memref_slice %arg5[%run_scoped3A_419, %dma_wait3A_543, %dma_wait3A_544] : memref<2x8x128xi32, #tpu.memory_space<vmem>> -> memref<1x8x128xi32, #tpu.memory_space<vmem>>
        %dma_wait3A_546 = tpu.memref_squeeze %dma_wait3A_545 : memref<1x8x128xi32, #tpu.memory_space<vmem>> -> memref<8x128xi32, #tpu.memory_space<vmem>>
        %dma_wait3A_547 = arith.constant 0 : i32
        %dma_wait3A_548 = tpu.memref_slice %arg2[%add3A_418, %dma_wait3A_547] : memref<25600x128xi32, #tpu.memory_space<hbm>> -> memref<8x128xi32, #tpu.memory_space<hbm>>
        tpu.wait_dma2 semaphore(%run_scoped3A_524 : memref<!tpu.dma_semaphore, #tpu.memory_space<semaphore_mem>>) src(%dma_wait3A_548 : memref<8x128xi32, #tpu.memory_space<hbm>>) dst(%dma_wait3A_546 : memref<8x128xi32, #tpu.memory_space<vmem>>)
        tpu.yield
      }) : () -> ()
      %dma_start3A_420 = arith.constant 1 : i32
      %dma_start3A_421 = arith.constant 0 : i32
      %dma_start3A_422 = arith.constant 1 : i32
      %dma_start3A_423 = arith.constant 0 : i32
      %dma_start3A_424 = arith.constant 0 : i32
      %dma_start3A_425 = tpu.memref_slice %arg6[%dma_start3A_422, %dma_start3A_423, %dma_start3A_424] : memref<2x1024x32xf32, #tpu.memory_space<vmem>> -> memref<1x128x32xf32, #tpu.memory_space<vmem>>
      %dma_start3A_426 = tpu.memref_squeeze %dma_start3A_425 : memref<1x128x32xf32, #tpu.memory_space<vmem>> -> memref<128x32xf32, #tpu.memory_space<vmem>>
      %dma_start3A_427 = arith.constant 0 : i32
      %dma_start3A_428 = tpu.memref_slice %arg5[%dma_start3A_420, %dma_start3A_421, %dma_start3A_427] : memref<2x8x128xi32, #tpu.memory_space<vmem>> -> memref<1x1x128xi32, #tpu.memory_space<vmem>>
      %dma_start3A_429 = tpu.memref_squeeze %dma_start3A_428 : memref<1x1x128xi32, #tpu.memory_space<vmem>> -> memref<128xi32, #tpu.memory_space<vmem>>
      %dma_start3A_430 = arith.constant 0 : i32
      %dma_start3A_431 = arith.constant 0 : i32
      %dma_start3A_432 = tpu.memref_slice %arg3[%dma_start3A_430, %dma_start3A_431] : memref<1000000x32xf32, #tpu.memory_space<hbm>> -> memref<1000000x32xf32, #tpu.memory_space<hbm>>
      tpu.enqueue_indirect_dma source(%dma_start3A_432 : memref<1000000x32xf32, #tpu.memory_space<hbm>>) target(%dma_start3A_426 : memref<128x32xf32, #tpu.memory_space<vmem>>) offsets(%dma_start3A_429 : memref<128xi32, #tpu.memory_space<vmem>>) semaphore(%arg8 : memref<!tpu.dma_semaphore, #tpu.memory_space<semaphore_mem>>)
      %dma_start3A_433 = arith.constant 1 : i32
      %dma_start3A_434 = arith.constant 1 : i32
      %dma_start3A_435 = arith.constant 1 : i32
      %dma_start3A_436 = arith.constant 128 : i32
      %dma_start3A_437 = arith.constant 0 : i32
      %dma_start3A_438 = tpu.memref_slice %arg6[%dma_start3A_435, %dma_start3A_436, %dma_start3A_437] : memref<2x1024x32xf32, #tpu.memory_space<vmem>> -> memref<1x128x32xf32, #tpu.memory_space<vmem>>
      %dma_start3A_439 = tpu.memref_squeeze %dma_start3A_438 : memref<1x128x32xf32, #tpu.memory_space<vmem>> -> memref<128x32xf32, #tpu.memory_space<vmem>>
      %dma_start3A_440 = arith.constant 0 : i32
      %dma_start3A_441 = tpu.memref_slice %arg5[%dma_start3A_433, %dma_start3A_434, %dma_start3A_440] : memref<2x8x128xi32, #tpu.memory_space<vmem>> -> memref<1x1x128xi32, #tpu.memory_space<vmem>>
      %dma_start3A_442 = tpu.memref_squeeze %dma_start3A_441 : memref<1x1x128xi32, #tpu.memory_space<vmem>> -> memref<128xi32, #tpu.memory_space<vmem>>
      %dma_start3A_443 = arith.constant 0 : i32
      %dma_start3A_444 = arith.constant 0 : i32
      %dma_start3A_445 = tpu.memref_slice %arg3[%dma_start3A_443, %dma_start3A_444] : memref<1000000x32xf32, #tpu.memory_space<hbm>> -> memref<1000000x32xf32, #tpu.memory_space<hbm>>
      tpu.enqueue_indirect_dma source(%dma_start3A_445 : memref<1000000x32xf32, #tpu.memory_space<hbm>>) target(%dma_start3A_439 : memref<128x32xf32, #tpu.memory_space<vmem>>) offsets(%dma_start3A_442 : memref<128xi32, #tpu.memory_space<vmem>>) semaphore(%arg8 : memref<!tpu.dma_semaphore, #tpu.memory_space<semaphore_mem>>)
      %dma_start3A_446 = arith.constant 1 : i32
      %dma_start3A_447 = arith.constant 2 : i32
      %dma_start3A_448 = arith.constant 1 : i32
      %dma_start3A_449 = arith.constant 256 : i32
      %dma_start3A_450 = arith.constant 0 : i32
      %dma_start3A_451 = tpu.memref_slice %arg6[%dma_start3A_448, %dma_start3A_449, %dma_start3A_450] : memref<2x1024x32xf32, #tpu.memory_space<vmem>> -> memref<1x128x32xf32, #tpu.memory_space<vmem>>
      %dma_start3A_452 = tpu.memref_squeeze %dma_start3A_451 : memref<1x128x32xf32, #tpu.memory_space<vmem>> -> memref<128x32xf32, #tpu.memory_space<vmem>>
      %dma_start3A_453 = arith.constant 0 : i32
      %dma_start3A_454 = tpu.memref_slice %arg5[%dma_start3A_446, %dma_start3A_447, %dma_start3A_453] : memref<2x8x128xi32, #tpu.memory_space<vmem>> -> memref<1x1x128xi32, #tpu.memory_space<vmem>>
      %dma_start3A_455 = tpu.memref_squeeze %dma_start3A_454 : memref<1x1x128xi32, #tpu.memory_space<vmem>> -> memref<128xi32, #tpu.memory_space<vmem>>
      %dma_start3A_456 = arith.constant 0 : i32
      %dma_start3A_457 = arith.constant 0 : i32
      %dma_start3A_458 = tpu.memref_slice %arg3[%dma_start3A_456, %dma_start3A_457] : memref<1000000x32xf32, #tpu.memory_space<hbm>> -> memref<1000000x32xf32, #tpu.memory_space<hbm>>
      tpu.enqueue_indirect_dma source(%dma_start3A_458 : memref<1000000x32xf32, #tpu.memory_space<hbm>>) target(%dma_start3A_452 : memref<128x32xf32, #tpu.memory_space<vmem>>) offsets(%dma_start3A_455 : memref<128xi32, #tpu.memory_space<vmem>>) semaphore(%arg8 : memref<!tpu.dma_semaphore, #tpu.memory_space<semaphore_mem>>)
      %dma_start3A_459 = arith.constant 1 : i32
      %dma_start3A_460 = arith.constant 3 : i32
      %dma_start3A_461 = arith.constant 1 : i32
      %dma_start3A_462 = arith.constant 384 : i32
      %dma_start3A_463 = arith.constant 0 : i32
      %dma_start3A_464 = tpu.memref_slice %arg6[%dma_start3A_461, %dma_start3A_462, %dma_start3A_463] : memref<2x1024x32xf32, #tpu.memory_space<vmem>> -> memref<1x128x32xf32, #tpu.memory_space<vmem>>
      %dma_start3A_465 = tpu.memref_squeeze %dma_start3A_464 : memref<1x128x32xf32, #tpu.memory_space<vmem>> -> memref<128x32xf32, #tpu.memory_space<vmem>>
      %dma_start3A_466 = arith.constant 0 : i32
      %dma_start3A_467 = tpu.memref_slice %arg5[%dma_start3A_459, %dma_start3A_460, %dma_start3A_466] : memref<2x8x128xi32, #tpu.memory_space<vmem>> -> memref<1x1x128xi32, #tpu.memory_space<vmem>>
      %dma_start3A_468 = tpu.memref_squeeze %dma_start3A_467 : memref<1x1x128xi32, #tpu.memory_space<vmem>> -> memref<128xi32, #tpu.memory_space<vmem>>
      %dma_start3A_469 = arith.constant 0 : i32
      %dma_start3A_470 = arith.constant 0 : i32
      %dma_start3A_471 = tpu.memref_slice %arg3[%dma_start3A_469, %dma_start3A_470] : memref<1000000x32xf32, #tpu.memory_space<hbm>> -> memref<1000000x32xf32, #tpu.memory_space<hbm>>
      tpu.enqueue_indirect_dma source(%dma_start3A_471 : memref<1000000x32xf32, #tpu.memory_space<hbm>>) target(%dma_start3A_465 : memref<128x32xf32, #tpu.memory_space<vmem>>) offsets(%dma_start3A_468 : memref<128xi32, #tpu.memory_space<vmem>>) semaphore(%arg8 : memref<!tpu.dma_semaphore, #tpu.memory_space<semaphore_mem>>)
      %dma_start3A_472 = arith.constant 1 : i32
      %dma_start3A_473 = arith.constant 4 : i32
      %dma_start3A_474 = arith.constant 1 : i32
      %dma_start3A_475 = arith.constant 512 : i32
      %dma_start3A_476 = arith.constant 0 : i32
      %dma_start3A_477 = tpu.memref_slice %arg6[%dma_start3A_474, %dma_start3A_475, %dma_start3A_476] : memref<2x1024x32xf32, #tpu.memory_space<vmem>> -> memref<1x128x32xf32, #tpu.memory_space<vmem>>
      %dma_start3A_478 = tpu.memref_squeeze %dma_start3A_477 : memref<1x128x32xf32, #tpu.memory_space<vmem>> -> memref<128x32xf32, #tpu.memory_space<vmem>>
      %dma_start3A_479 = arith.constant 0 : i32
      %dma_start3A_480 = tpu.memref_slice %arg5[%dma_start3A_472, %dma_start3A_473, %dma_start3A_479] : memref<2x8x128xi32, #tpu.memory_space<vmem>> -> memref<1x1x128xi32, #tpu.memory_space<vmem>>
      %dma_start3A_481 = tpu.memref_squeeze %dma_start3A_480 : memref<1x1x128xi32, #tpu.memory_space<vmem>> -> memref<128xi32, #tpu.memory_space<vmem>>
      %dma_start3A_482 = arith.constant 0 : i32
      %dma_start3A_483 = arith.constant 0 : i32
      %dma_start3A_484 = tpu.memref_slice %arg3[%dma_start3A_482, %dma_start3A_483] : memref<1000000x32xf32, #tpu.memory_space<hbm>> -> memref<1000000x32xf32, #tpu.memory_space<hbm>>
      tpu.enqueue_indirect_dma source(%dma_start3A_484 : memref<1000000x32xf32, #tpu.memory_space<hbm>>) target(%dma_start3A_478 : memref<128x32xf32, #tpu.memory_space<vmem>>) offsets(%dma_start3A_481 : memref<128xi32, #tpu.memory_space<vmem>>) semaphore(%arg8 : memref<!tpu.dma_semaphore, #tpu.memory_space<semaphore_mem>>)
      %dma_start3A_485 = arith.constant 1 : i32
      %dma_start3A_486 = arith.constant 5 : i32
      %dma_start3A_487 = arith.constant 1 : i32
      %dma_start3A_488 = arith.constant 640 : i32
      %dma_start3A_489 = arith.constant 0 : i32
      %dma_start3A_490 = tpu.memref_slice %arg6[%dma_start3A_487, %dma_start3A_488, %dma_start3A_489] : memref<2x1024x32xf32, #tpu.memory_space<vmem>> -> memref<1x128x32xf32, #tpu.memory_space<vmem>>
      %dma_start3A_491 = tpu.memref_squeeze %dma_start3A_490 : memref<1x128x32xf32, #tpu.memory_space<vmem>> -> memref<128x32xf32, #tpu.memory_space<vmem>>
      %dma_start3A_492 = arith.constant 0 : i32
      %dma_start3A_493 = tpu.memref_slice %arg5[%dma_start3A_485, %dma_start3A_486, %dma_start3A_492] : memref<2x8x128xi32, #tpu.memory_space<vmem>> -> memref<1x1x128xi32, #tpu.memory_space<vmem>>
      %dma_start3A_494 = tpu.memref_squeeze %dma_start3A_493 : memref<1x1x128xi32, #tpu.memory_space<vmem>> -> memref<128xi32, #tpu.memory_space<vmem>>
      %dma_start3A_495 = arith.constant 0 : i32
      %dma_start3A_496 = arith.constant 0 : i32
      %dma_start3A_497 = tpu.memref_slice %arg3[%dma_start3A_495, %dma_start3A_496] : memref<1000000x32xf32, #tpu.memory_space<hbm>> -> memref<1000000x32xf32, #tpu.memory_space<hbm>>
      tpu.enqueue_indirect_dma source(%dma_start3A_497 : memref<1000000x32xf32, #tpu.memory_space<hbm>>) target(%dma_start3A_491 : memref<128x32xf32, #tpu.memory_space<vmem>>) offsets(%dma_start3A_494 : memref<128xi32, #tpu.memory_space<vmem>>) semaphore(%arg8 : memref<!tpu.dma_semaphore, #tpu.memory_space<semaphore_mem>>)
      %dma_start3A_498 = arith.constant 1 : i32
      %dma_start3A_499 = arith.constant 6 : i32
      %dma_start3A_500 = arith.constant 1 : i32
      %dma_start3A_501 = arith.constant 768 : i32
      %dma_start3A_502 = arith.constant 0 : i32
      %dma_start3A_503 = tpu.memref_slice %arg6[%dma_start3A_500, %dma_start3A_501, %dma_start3A_502] : memref<2x1024x32xf32, #tpu.memory_space<vmem>> -> memref<1x128x32xf32, #tpu.memory_space<vmem>>
      %dma_start3A_504 = tpu.memref_squeeze %dma_start3A_503 : memref<1x128x32xf32, #tpu.memory_space<vmem>> -> memref<128x32xf32, #tpu.memory_space<vmem>>
      %dma_start3A_505 = arith.constant 0 : i32
      %dma_start3A_506 = tpu.memref_slice %arg5[%dma_start3A_498, %dma_start3A_499, %dma_start3A_505] : memref<2x8x128xi32, #tpu.memory_space<vmem>> -> memref<1x1x128xi32, #tpu.memory_space<vmem>>
      %dma_start3A_507 = tpu.memref_squeeze %dma_start3A_506 : memref<1x1x128xi32, #tpu.memory_space<vmem>> -> memref<128xi32, #tpu.memory_space<vmem>>
      %dma_start3A_508 = arith.constant 0 : i32
      %dma_start3A_509 = arith.constant 0 : i32
      %dma_start3A_510 = tpu.memref_slice %arg3[%dma_start3A_508, %dma_start3A_509] : memref<1000000x32xf32, #tpu.memory_space<hbm>> -> memref<1000000x32xf32, #tpu.memory_space<hbm>>
      tpu.enqueue_indirect_dma source(%dma_start3A_510 : memref<1000000x32xf32, #tpu.memory_space<hbm>>) target(%dma_start3A_504 : memref<128x32xf32, #tpu.memory_space<vmem>>) offsets(%dma_start3A_507 : memref<128xi32, #tpu.memory_space<vmem>>) semaphore(%arg8 : memref<!tpu.dma_semaphore, #tpu.memory_space<semaphore_mem>>)
      %dma_start3A_511 = arith.constant 1 : i32
      %dma_start3A_512 = arith.constant 7 : i32
      %dma_start3A_513 = arith.constant 1 : i32
      %dma_start3A_514 = arith.constant 896 : i32
      %dma_start3A_515 = arith.constant 0 : i32
      %dma_start3A_516 = tpu.memref_slice %arg6[%dma_start3A_513, %dma_start3A_514, %dma_start3A_515] : memref<2x1024x32xf32, #tpu.memory_space<vmem>> -> memref<1x128x32xf32, #tpu.memory_space<vmem>>
      %dma_start3A_517 = tpu.memref_squeeze %dma_start3A_516 : memref<1x128x32xf32, #tpu.memory_space<vmem>> -> memref<128x32xf32, #tpu.memory_space<vmem>>
      %dma_start3A_518 = arith.constant 0 : i32
      %dma_start3A_519 = tpu.memref_slice %arg5[%dma_start3A_511, %dma_start3A_512, %dma_start3A_518] : memref<2x8x128xi32, #tpu.memory_space<vmem>> -> memref<1x1x128xi32, #tpu.memory_space<vmem>>
      %dma_start3A_520 = tpu.memref_squeeze %dma_start3A_519 : memref<1x1x128xi32, #tpu.memory_space<vmem>> -> memref<128xi32, #tpu.memory_space<vmem>>
      %dma_start3A_521 = arith.constant 0 : i32
      %dma_start3A_522 = arith.constant 0 : i32
      %dma_start3A_523 = tpu.memref_slice %arg3[%dma_start3A_521, %dma_start3A_522] : memref<1000000x32xf32, #tpu.memory_space<hbm>> -> memref<1000000x32xf32, #tpu.memory_space<hbm>>
      tpu.enqueue_indirect_dma source(%dma_start3A_523 : memref<1000000x32xf32, #tpu.memory_space<hbm>>) target(%dma_start3A_517 : memref<128x32xf32, #tpu.memory_space<vmem>>) offsets(%dma_start3A_520 : memref<128xi32, #tpu.memory_space<vmem>>) semaphore(%arg8 : memref<!tpu.dma_semaphore, #tpu.memory_space<semaphore_mem>>)
    }
    %scan3A_221 = arith.constant 49 : i32
    %dma_wait3A = arith.constant 0 : i32
    %dma_wait3A_222 = arith.constant 0 : i32
    %dma_wait3A_223 = arith.constant 0 : i32
    %dma_wait3A_224 = tpu.memref_slice %arg6[%dma_wait3A, %dma_wait3A_222, %dma_wait3A_223] : memref<2x1024x32xf32, #tpu.memory_space<vmem>> -> memref<1x1024x32xf32, #tpu.memory_space<vmem>>
    %dma_wait3A_225 = tpu.memref_squeeze %dma_wait3A_224 : memref<1x1024x32xf32, #tpu.memory_space<vmem>> -> memref<1024x32xf32, #tpu.memory_space<vmem>>
    %dma_wait3A_226 = arith.constant 0 : i32
    %dma_wait3A_227 = arith.constant 0 : i32
    %dma_wait3A_228 = tpu.memref_slice %arg4[%dma_wait3A_226, %dma_wait3A_227] : memref<3276800x128xf32, #tpu.memory_space<hbm>> -> memref<1024x32xf32, #tpu.memory_space<hbm>>
    %dma_wait3A_229 = arith.constant 0 : i32
    %dma_wait3A_230 = arith.constant 0 : i32
    %dma_wait3A_231 = tpu.memref_slice %arg6[%dma_wait3A, %dma_wait3A_229, %dma_wait3A_230] : memref<2x1024x32xf32, #tpu.memory_space<vmem>> -> memref<1x1024x32xf32, #tpu.memory_space<vmem>>
    %dma_wait3A_232 = tpu.memref_squeeze %dma_wait3A_231 : memref<1x1024x32xf32, #tpu.memory_space<vmem>> -> memref<1024x32xf32, #tpu.memory_space<vmem>>
    %dma_wait3A_233 = arith.constant 0 : i32
    %dma_wait3A_234 = arith.constant 0 : i32
    %dma_wait3A_235 = tpu.memref_slice %arg4[%dma_wait3A_233, %dma_wait3A_234] : memref<3276800x128xf32, #tpu.memory_space<hbm>> -> memref<1024x32xf32, #tpu.memory_space<hbm>>
    tpu.wait_dma2 semaphore(%arg7 : memref<!tpu.dma_semaphore, #tpu.memory_space<semaphore_mem>>) src(%dma_wait3A_235 : memref<1024x32xf32, #tpu.memory_space<hbm>>) dst(%dma_wait3A_232 : memref<1024x32xf32, #tpu.memory_space<vmem>>)
    %add3A_236 = arith.constant 100352 : i32
    %add3A_237 = arith.addi %mul3A_2, %add3A_236 : i32
    %run_scoped3A_238 = arith.constant 0 : i32
    "tpu.region"() ({
      %run_scoped3A_257 = tpu.sem_alloc : memref<!tpu.dma_semaphore, #tpu.memory_space<semaphore_mem>>
      %dma_start3A_258 = arith.constant 0 : i32
      %dma_start3A_259 = arith.constant 0 : i32
      %dma_start3A_260 = tpu.memref_slice %arg6[%run_scoped3A_238, %dma_start3A_258, %dma_start3A_259] : memref<2x1024x32xf32, #tpu.memory_space<vmem>> -> memref<1x1024x32xf32, #tpu.memory_space<vmem>>
      %dma_start3A_261 = tpu.memref_squeeze %dma_start3A_260 : memref<1x1024x32xf32, #tpu.memory_space<vmem>> -> memref<1024x32xf32, #tpu.memory_space<vmem>>
      %dma_start3A_262 = arith.constant 0 : i32
      %dma_start3A_263 = tpu.memref_slice %arg4[%add3A_237, %dma_start3A_262] : memref<3276800x128xf32, #tpu.memory_space<hbm>> -> memref<1024x32xf32, #tpu.memory_space<hbm>>
      %dma_start3A_264 = arith.constant 0 : i32
      %dma_start3A_265 = tpu.memref_slice %arg4[%add3A_237, %dma_start3A_264] : memref<3276800x128xf32, #tpu.memory_space<hbm>> -> memref<1024x32xf32, #tpu.memory_space<hbm>>
      %dma_start3A_266 = arith.constant 0 : i32
      %dma_start3A_267 = arith.constant 0 : i32
      %dma_start3A_268 = tpu.memref_slice %arg6[%run_scoped3A_238, %dma_start3A_266, %dma_start3A_267] : memref<2x1024x32xf32, #tpu.memory_space<vmem>> -> memref<1x1024x32xf32, #tpu.memory_space<vmem>>
      %dma_start3A_269 = tpu.memref_squeeze %dma_start3A_268 : memref<1x1024x32xf32, #tpu.memory_space<vmem>> -> memref<1024x32xf32, #tpu.memory_space<vmem>>
      tpu.enqueue_dma source(%dma_start3A_269 : memref<1024x32xf32, #tpu.memory_space<vmem>>) target(%dma_start3A_265 : memref<1024x32xf32, #tpu.memory_space<hbm>>) target_semaphore(%run_scoped3A_257 : memref<!tpu.dma_semaphore, #tpu.memory_space<semaphore_mem>>)
      %dma_wait3A_270 = arith.constant 0 : i32
      %dma_wait3A_271 = arith.constant 0 : i32
      %dma_wait3A_272 = tpu.memref_slice %arg6[%run_scoped3A_238, %dma_wait3A_270, %dma_wait3A_271] : memref<2x1024x32xf32, #tpu.memory_space<vmem>> -> memref<1x1024x32xf32, #tpu.memory_space<vmem>>
      %dma_wait3A_273 = tpu.memref_squeeze %dma_wait3A_272 : memref<1x1024x32xf32, #tpu.memory_space<vmem>> -> memref<1024x32xf32, #tpu.memory_space<vmem>>
      %dma_wait3A_274 = arith.constant 0 : i32
      %dma_wait3A_275 = tpu.memref_slice %arg4[%add3A_237, %dma_wait3A_274] : memref<3276800x128xf32, #tpu.memory_space<hbm>> -> memref<1024x32xf32, #tpu.memory_space<hbm>>
      %dma_wait3A_276 = arith.constant 0 : i32
      %dma_wait3A_277 = tpu.memref_slice %arg4[%add3A_237, %dma_wait3A_276] : memref<3276800x128xf32, #tpu.memory_space<hbm>> -> memref<1024x32xf32, #tpu.memory_space<hbm>>
      %dma_wait3A_278 = arith.constant 0 : i32
      %dma_wait3A_279 = arith.constant 0 : i32
      %dma_wait3A_280 = tpu.memref_slice %arg6[%run_scoped3A_238, %dma_wait3A_278, %dma_wait3A_279] : memref<2x1024x32xf32, #tpu.memory_space<vmem>> -> memref<1x1024x32xf32, #tpu.memory_space<vmem>>
      %dma_wait3A_281 = tpu.memref_squeeze %dma_wait3A_280 : memref<1x1024x32xf32, #tpu.memory_space<vmem>> -> memref<1024x32xf32, #tpu.memory_space<vmem>>
      tpu.wait_dma2 semaphore(%run_scoped3A_257 : memref<!tpu.dma_semaphore, #tpu.memory_space<semaphore_mem>>) src(%dma_wait3A_281 : memref<1024x32xf32, #tpu.memory_space<vmem>>) dst(%dma_wait3A_277 : memref<1024x32xf32, #tpu.memory_space<hbm>>)
      tpu.yield
    }) : () -> ()
    %dma_wait3A_239 = arith.constant 1 : i32
    %dma_wait3A_240 = arith.constant 0 : i32
    %dma_wait3A_241 = arith.constant 0 : i32
    %dma_wait3A_242 = tpu.memref_slice %arg6[%dma_wait3A_239, %dma_wait3A_240, %dma_wait3A_241] : memref<2x1024x32xf32, #tpu.memory_space<vmem>> -> memref<1x1024x32xf32, #tpu.memory_space<vmem>>
    %dma_wait3A_243 = tpu.memref_squeeze %dma_wait3A_242 : memref<1x1024x32xf32, #tpu.memory_space<vmem>> -> memref<1024x32xf32, #tpu.memory_space<vmem>>
    %dma_wait3A_244 = arith.constant 0 : i32
    %dma_wait3A_245 = arith.constant 0 : i32
    %dma_wait3A_246 = tpu.memref_slice %arg4[%dma_wait3A_244, %dma_wait3A_245] : memref<3276800x128xf32, #tpu.memory_space<hbm>> -> memref<1024x32xf32, #tpu.memory_space<hbm>>
    %dma_wait3A_247 = arith.constant 0 : i32
    %dma_wait3A_248 = arith.constant 0 : i32
    %dma_wait3A_249 = tpu.memref_slice %arg6[%dma_wait3A_239, %dma_wait3A_247, %dma_wait3A_248] : memref<2x1024x32xf32, #tpu.memory_space<vmem>> -> memref<1x1024x32xf32, #tpu.memory_space<vmem>>
    %dma_wait3A_250 = tpu.memref_squeeze %dma_wait3A_249 : memref<1x1024x32xf32, #tpu.memory_space<vmem>> -> memref<1024x32xf32, #tpu.memory_space<vmem>>
    %dma_wait3A_251 = arith.constant 0 : i32
    %dma_wait3A_252 = arith.constant 0 : i32
    %dma_wait3A_253 = tpu.memref_slice %arg4[%dma_wait3A_251, %dma_wait3A_252] : memref<3276800x128xf32, #tpu.memory_space<hbm>> -> memref<1024x32xf32, #tpu.memory_space<hbm>>
    tpu.wait_dma2 semaphore(%arg8 : memref<!tpu.dma_semaphore, #tpu.memory_space<semaphore_mem>>) src(%dma_wait3A_253 : memref<1024x32xf32, #tpu.memory_space<hbm>>) dst(%dma_wait3A_250 : memref<1024x32xf32, #tpu.memory_space<vmem>>)
    %add3A_254 = arith.constant 101376 : i32
    %add3A_255 = arith.addi %mul3A_2, %add3A_254 : i32
    %run_scoped3A_256 = arith.constant 1 : i32
    "tpu.region"() ({
      %run_scoped3A_257 = tpu.sem_alloc : memref<!tpu.dma_semaphore, #tpu.memory_space<semaphore_mem>>
      %dma_start3A_258 = arith.constant 0 : i32
      %dma_start3A_259 = arith.constant 0 : i32
      %dma_start3A_260 = tpu.memref_slice %arg6[%run_scoped3A_256, %dma_start3A_258, %dma_start3A_259] : memref<2x1024x32xf32, #tpu.memory_space<vmem>> -> memref<1x1024x32xf32, #tpu.memory_space<vmem>>
      %dma_start3A_261 = tpu.memref_squeeze %dma_start3A_260 : memref<1x1024x32xf32, #tpu.memory_space<vmem>> -> memref<1024x32xf32, #tpu.memory_space<vmem>>
      %dma_start3A_262 = arith.constant 0 : i32
      %dma_start3A_263 = tpu.memref_slice %arg4[%add3A_255, %dma_start3A_262] : memref<3276800x128xf32, #tpu.memory_space<hbm>> -> memref<1024x32xf32, #tpu.memory_space<hbm>>
      %dma_start3A_264 = arith.constant 0 : i32
      %dma_start3A_265 = tpu.memref_slice %arg4[%add3A_255, %dma_start3A_264] : memref<3276800x128xf32, #tpu.memory_space<hbm>> -> memref<1024x32xf32, #tpu.memory_space<hbm>>
      %dma_start3A_266 = arith.constant 0 : i32
      %dma_start3A_267 = arith.constant 0 : i32
      %dma_start3A_268 = tpu.memref_slice %arg6[%run_scoped3A_256, %dma_start3A_266, %dma_start3A_267] : memref<2x1024x32xf32, #tpu.memory_space<vmem>> -> memref<1x1024x32xf32, #tpu.memory_space<vmem>>
      %dma_start3A_269 = tpu.memref_squeeze %dma_start3A_268 : memref<1x1024x32xf32, #tpu.memory_space<vmem>> -> memref<1024x32xf32, #tpu.memory_space<vmem>>
      tpu.enqueue_dma source(%dma_start3A_269 : memref<1024x32xf32, #tpu.memory_space<vmem>>) target(%dma_start3A_265 : memref<1024x32xf32, #tpu.memory_space<hbm>>) target_semaphore(%run_scoped3A_257 : memref<!tpu.dma_semaphore, #tpu.memory_space<semaphore_mem>>)
      %dma_wait3A_270 = arith.constant 0 : i32
      %dma_wait3A_271 = arith.constant 0 : i32
      %dma_wait3A_272 = tpu.memref_slice %arg6[%run_scoped3A_256, %dma_wait3A_270, %dma_wait3A_271] : memref<2x1024x32xf32, #tpu.memory_space<vmem>> -> memref<1x1024x32xf32, #tpu.memory_space<vmem>>
      %dma_wait3A_273 = tpu.memref_squeeze %dma_wait3A_272 : memref<1x1024x32xf32, #tpu.memory_space<vmem>> -> memref<1024x32xf32, #tpu.memory_space<vmem>>
      %dma_wait3A_274 = arith.constant 0 : i32
      %dma_wait3A_275 = tpu.memref_slice %arg4[%add3A_255, %dma_wait3A_274] : memref<3276800x128xf32, #tpu.memory_space<hbm>> -> memref<1024x32xf32, #tpu.memory_space<hbm>>
      %dma_wait3A_276 = arith.constant 0 : i32
      %dma_wait3A_277 = tpu.memref_slice %arg4[%add3A_255, %dma_wait3A_276] : memref<3276800x128xf32, #tpu.memory_space<hbm>> -> memref<1024x32xf32, #tpu.memory_space<hbm>>
      %dma_wait3A_278 = arith.constant 0 : i32
      %dma_wait3A_279 = arith.constant 0 : i32
      %dma_wait3A_280 = tpu.memref_slice %arg6[%run_scoped3A_256, %dma_wait3A_278, %dma_wait3A_279] : memref<2x1024x32xf32, #tpu.memory_space<vmem>> -> memref<1x1024x32xf32, #tpu.memory_space<vmem>>
      %dma_wait3A_281 = tpu.memref_squeeze %dma_wait3A_280 : memref<1x1024x32xf32, #tpu.memory_space<vmem>> -> memref<1024x32xf32, #tpu.memory_space<vmem>>
      tpu.wait_dma2 semaphore(%run_scoped3A_257 : memref<!tpu.dma_semaphore, #tpu.memory_space<semaphore_mem>>) src(%dma_wait3A_281 : memref<1024x32xf32, #tpu.memory_space<vmem>>) dst(%dma_wait3A_277 : memref<1024x32xf32, #tpu.memory_space<hbm>>)
      tpu.yield
    }) : () -> ()
    return
  }
}

</mosaic_0001>

<sc_bundles>
// kernel: kernel.3.cloned.1.call-start
scs
__scs_entry_jumppad:
0x0: {  	(pc) =	sbr.rel $0x88, $3  }
0x1: {  	(tag) =	ssettag $0x0;
	lr =	simm.s32 $0x1  }
0x2: {  	[smem:$0x3F9F] =	sst lr;
	_ =	strace $0xD0000000  }
0x3: {  	_ = 	snop  }
0x4: {  	_ = 	snop  }
0x5: {  	_ = 	snop  }
0x6: {  	_ = 	snop  }
0x7: {  	_ = 	snop  }
__scs_overlays_trampoline_lowered:
0x8: {  	[smem:$0x3FAE] =	sst s0  }
0x9: {  	[smem:$0x3FAF] =	sst s1  }
0xa: {  	[smem:$0x3FB0] =	sst s2  }
0xb: {  	[smem:$0x3FB1] =	sst s3  }
0xc: {  	[smem:$0x3FB2] =	sst s4  }
0xd: {  	[smem:$0x3FB3] =	sst s5  }
0xe: {  	[smem:$0x3FB4] =	sst s6  }
0xf: {  	[smem:$0x3FB5] =	sst s7  }
0x10: {  	[smem:$0x3FB6] =	sst s8  }
0x11: {  	[smem:$0x3FB7] =	sst s9;
	s0 =	simm.s32 @!p0 $0x0  }
0x12: {  	s1 =	sld [smem:$0x3F9D];
	s0 =	simm.s32 @p0 $0x1  }
0x13: {  	[smem:$0x3FB8] =	sst s0;
	s0 =	simm.s32 @!p1 $0x0  }
0x14: {  	s2 =	sld [smem:$0x3F9C];
	s0 =	simm.s32 @p1 $0x1  }
0x15: {  	[smem:$0x3FB9] =	sst s0;
	s0 =	simm.s32 @!p2 $0x0  }
0x16: {  	s3 =	sld [smem:$0x3FDB];
	s0 =	simm.s32 @p2 $0x1  }
0x17: {  	s4 =	simm.s32 $0x1BF5;
	[smem:$0x3FBB] =	sst s0  }
0x18: {  	s0 =	sld [smem:$0x3F9E];
	_ =	swait.ge [sflag:s4], $0x0  }
0x19: {  	s7 =	sld [smem:$0x3F9F]  }
0x1a: {  	s8 =	sadd.s32 $0xFFFFE003, lr  }
0x1b: {  	s9 =	sadd.s32 $0xFFFFFEF7, lr;
	s5 =	simm.s32 $0xFFFFFFFF;
	p2 =	slt.u32 s8, $0xFFFFF086  }
0x1c: {  	p1 =	slt.u32 s9, $0xF7A;
	s5 =	simm.s32 @!p2 $0x0  }
0x1d: {  	s5 =	simm.s32 @p1 $0x1;
	p0 =	seq.s32 s7, s2  }
0x1e: {  	s7 =	smul.u32 @!p0 $0xF7A, s2;
	p2 =	seq.s32 @!p0 s5, $0x0  }
0x1f: {  	s9 =	smul.u32 $0xF7A, s1;
	s8 =	simm.s32 @!p0 $0x1BF5;
	p2 =	por !p2, p0  }
0x20: {  	[sflag:s8] =	ssyncset.s32 @!p0 $0xFFFFF086;
	s6 =	sadd.s32 @!p0 s3, s7;
	s7 =	simm.s32 @!p0 $0x108  }
0x21: {  	s3 =	sadd.s32 s3, s9;
	s6 =	sadd.s32 @!p0 $0x88, s6;
	s7 =	simm.s32 @p2 $0x1082  }
0x22: {  	[simem:s7], [sflag:s8] =	dma.local @!p0 [hbm:s6], $0xF7A  }
0x23: {  	s9 =	sor.u32 $0xD0000000, s2;
	s6 =	simm.s32 $0x108;
	_ =	swait.ge @!p0 [sflag:s8], $0x0  }
0x24: {  	s3 =	sadd.s32 $0x88, s3;
	s6 =	simm.s32 @!p1 $0x1082;
	[sflag:s4] =	ssyncset.s32 $0xFFFFF086  }
0x25: {  	[simem:s6], [sflag:s4] =	dma.local [hbm:s3], $0xF7A  }
0x26: {  	[smem:$0x3F9F] =	sst s1;
	(tag) =	ssettag s2;
	_ =	strace s9  }
0x27: {  	s1 =	sld [smem:$0x3FAF]  }
0x28: {  	s2 =	sld [smem:$0x3FB0]  }
0x29: {  	s4 =	sld [smem:$0x3FB2]  }
0x2a: {  	p0 =	seq.s32 s5, $0x0;
	s5 =	sld [smem:$0x3FB3]  }
0x2b: {  	s6 =	sld [smem:$0x3FB4]  }
0x2c: {  	s7 =	sld [smem:$0x3FB5]  }
0x2d: {  	s3 =	simm.s32 $0x108;
	s8 =	sld [smem:$0x3FB6]  }
0x2e: {  	s3 =	simm.s32 @!p0 $0x1082;
	s9 =	sld [smem:$0x3FB7]  }
0x2f: {  	lr =	sadd.s32 s0, s3;
	s0 =	sld [smem:$0x3FAE]  }
0x30: {  	s3 =	sld [smem:$0x3FB1]  }
0x31: {  	[smem:$0x3FBA] =	sst s10  }
0x32: {  	s10 =	sld [smem:$0x3FB8];
	_ =	sdelay $0x3  }
0x33: {  	p0 =	seq.s32 s10, $0x1;
	s10 =	sld [smem:$0x3FBA];
	_ =	sdelay $0x3  }
0x34: {  	[smem:$0x3FBA] =	sst s10  }
0x35: {  	s10 =	sld [smem:$0x3FB9];
	_ =	sdelay $0x3  }
0x36: {  	p1 =	seq.s32 s10, $0x1;
	s10 =	sld [smem:$0x3FBA];
	_ =	sdelay $0x3  }
0x37: {  	[smem:$0x3FBA] =	sst s10  }
0x38: {  	s10 =	sld [smem:$0x3FBB]  }
0x39: {  	_ = 	snop;
	(pc) =	sbr.ind lr, $3  }
0x3a: {  	_ = 	snop  }
0x3b: {  	_ = 	snop  }
0x3c: {  	p2 =	seq.s32 s10, $0x1;
	s10 =	sld [smem:$0x3FBA]  }
0x3d: {  	_ =	shalt  }
0x3e: {  	_ =	shalt  }
0x3f: {  	_ =	shalt  }
0x40: {  	_ =	shalt  }
0x41: {  	_ =	shalt  }
0x42: {  	_ =	shalt  }
0x43: {  	_ =	shalt  }
0x44: {  	_ =	shalt  }
0x45: {  	_ =	shalt  }
0x46: {  	_ =	shalt  }
0x47: {  	_ =	shalt  }
0x48: {  	_ =	shalt  }
0x49: {  	_ =	shalt  }
0x4a: {  	_ =	shalt  }
0x4b: {  	_ =	shalt  }
0x4c: {  	_ =	shalt  }
0x4d: {  	_ =	shalt  }
0x4e: {  	_ =	shalt  }
0x4f: {  	_ =	shalt  }
0x50: {  	_ =	shalt  }
0x51: {  	_ =	shalt  }
0x52: {  	_ =	shalt  }
0x53: {  	_ =	shalt  }
0x54: {  	_ =	shalt  }
0x55: {  	_ =	shalt  }
0x56: {  	_ =	shalt  }
0x57: {  	_ =	shalt  }
0x58: {  	_ =	shalt  }
0x59: {  	_ =	shalt  }
0x5a: {  	_ =	shalt  }
0x5b: {  	_ =	shalt  }
0x5c: {  	_ =	shalt  }
0x5d: {  	_ =	shalt  }
0x5e: {  	_ =	shalt  }
0x5f: {  	_ =	shalt  }
0x60: {  	_ =	shalt  }
0x61: {  	_ =	shalt  }
0x62: {  	_ =	shalt  }
0x63: {  	_ =	shalt  }
0x64: {  	_ =	shalt  }
0x65: {  	_ =	shalt  }
0x66: {  	_ =	shalt  }
0x67: {  	_ =	shalt  }
0x68: {  	_ =	shalt  }
0x69: {  	_ =	shalt  }
0x6a: {  	_ =	shalt  }
0x6b: {  	_ =	shalt  }
0x6c: {  	_ =	shalt  }
0x6d: {  	_ =	shalt  }
0x6e: {  	_ =	shalt  }
0x6f: {  	_ =	shalt  }
0x70: {  	_ =	shalt  }
0x71: {  	_ =	shalt  }
0x72: {  	_ =	shalt  }
0x73: {  	_ =	shalt  }
0x74: {  	_ =	shalt  }
0x75: {  	_ =	shalt  }
0x76: {  	_ =	shalt  }
0x77: {  	_ =	shalt  }
0x78: {  	_ =	shalt  }
0x79: {  	_ =	shalt  }
0x7a: {  	_ =	shalt  }
0x7b: {  	_ =	shalt  }
0x7c: {  	_ =	shalt  }
0x7d: {  	_ =	shalt  }
0x7e: {  	_ =	shalt  }
0x7f: {  	_ =	shalt  }
0x80: {  	_ =	shalt  }
0x81: {  	_ =	shalt  }
0x82: {  	_ =	shalt  }
0x83: {  	_ =	shalt  }
0x84: {  	_ =	shalt  }
0x85: {  	_ =	shalt  }
0x86: {  	_ =	shalt  }
0x87: {  	_ =	shalt  }
.Lfunc_end0:
.L_simem_size_0:
called_computation.1_lowered:
.L_overlay_start_0:
0x88: {  	s2 =	sld [smem:$0x3FD9]  }
0x89: {  	s3 =	sld [smem:$0x3FFE];
	_ =	sdelay $0x1  }
0x8a: {  	s1 =	srdreg.scid  }
0x8b: {  	s0 =	sand.u32 $0x1, s1  }
0x8c: {  	s17 =	sshll.u32 s0, $0xA;
	s2 =	sadd.s32 s3, s2  }
0x8d: {  	s2 =	sadd.s32 s2, s17  }
0x8e: {  	[smem:$0x3FC6] =	sst s2  }
0x8f: {  	_ = 	snop  }
0x90: {  	s2 =	sld [smem:$0x3FD0];
	(tm) =	ssettm $0x1  }
0x91: {  	s18 =	sld [smem:$0x3FFB];
	_ =	sdelay $0x3  }
0x92: {  	_ =	strace s18  }
0x93: {  	s3 =	sld [smem:$0x3FFC];
	_ =	sdelay $0x3  }
0x94: {  	_ =	strace s3  }
0x95: {  	s3 =	sld [smem:$0x3FFD];
	_ =	sdelay $0x3  }
0x96: {  	_ =	strace s3  }
0x97: {  	_ =	strace $0x8FFFFFFF  }
0x98: {  	s19 =	sld [smem:$0x3FDB];
	_ =	sdelay $0x1  }
0x99: {  	s4 =	simm.s32 $_scs_section_size  }
0x9a: {  	s5 =	simm.s32 $_size__tile_overlayer_lowered;
	s6 =	simm.s32 $_tile_overlayer_lowered  }
0x9b: {  	s22 =	simm.s32 $0x1BFF;
	s21 =	sshll.u32 s6, $0x1;
	s3 =	sadd.s32 s4, s19  }
0x9c: {  	s7 =	simm.s32 $0x0;
	s20 =	sshll.u32 s5, $0x1;
	s5 =	sadd.s32 s21, s3  }
0x9d: {  	[timem:s7], [sflag:s22] =	dma.local [hbm:s5], s20  }
0x9e: {  	_ =	swait.ge [sflag:s22], s20  }
0x9f: {  	s4 =	ssub.s32 $0x0, s20;
	[sflag:s22] =	ssyncset.done $0x0  }
0xa0: {  	[sflag:s22] =	ssyncadd.s32 s4;
	_ =	sdelay $0x1  }
0xa1: {  	s23 =	simm.s32 $0x1B8B  }
0xa2: {  	_ =	swait.ge [sflag:s23], $0x1  }
0xa3: {  	[sflag:s23] =	ssyncset.done $0x0  }
0xa4: {  	s25 =	simm.s32 $0x1B8E;
	s24 =	sld [smem:$0x3FFE];
	[sflag:s23] =	ssyncadd.s32 $0xFFFFFFFF  }
0xa5: {  	s26 =	simm.s32 $execute0_lowered;
	[smem:$0x3FD2] =	sst s25  }
0xa6: {  	s5 =	sshll.u32 s26, $0x1;
	_ =	strace $0x80000046;
	[dreg:$0x1] =	wrdreg $0xFFFFFFFF  }
0xa7: {  	s28 =	simm.s32 $_size_execute0_lowered;
	s3 =	sadd.s32 s3, s5;
	[dreg:$0x0] =	wrdreg $0x0  }
0xa8: {  	s5 =	sshll.u32 s28, $0x1;
	[dreg:$0x2] =	wrdreg s3  }
0xa9: {  	[dreg:$0x3] =	wrdreg s5  }
0xaa: {  	[dreg:$0x4] =	wrdreg $0xC0  }
0xab: {  	_ =	task [dreg:s7], $0x5FFFF  }
0xac: {  	[dreg:$0x1] =	wrdreg $0xFFFFFFFF  }
0xad: {  	[dreg:$0x0] =	wrdreg $0x60  }
0xae: {  	[dreg:$0x2] =	wrdreg s24  }
0xaf: {  	[dreg:$0x3] =	wrdreg s2  }
0xb0: {  	[dreg:$0x4] =	wrdreg $0x9  }
0xb1: {  	_ =	task.clear_ibuf [dreg:s7], $0x5FFFF;
	_ =	strace $0x90000046  }
0xb2: {  	s29 =	simm.s32 $0x9;
	_ =	strace $0x80000048  }
0xb3: {  	_ =	swait.ge [sflag:s29], $0x1  }
0xb4: {  	[sflag:s29] =	ssyncadd.s32 $0xFFFFFFFF  }
0xb5: {  	_ =	strace $0x90000048  }
0xb6: {  	_ =	sfence  }
0xb7: {  	s30 =	sld [smem:$0x0];
	_ =	sdelay $0x2  }
0xb8: {  	s31 =	sshll.u32 s1, $0xD;
	s1 =	sshrl.u32 s1, $0x2  }
0xb9: {  	s3 =	sand.u32 $0x4000, s31;
	s1 =	sadd.s32 s1, s30  }
0xba: {  	s0 =	sor.u32 s3, s0;
	s1 =	sshll.u32 s1, $0x11  }
0xbb: {  	s0 =	sor.u32 s1, s0  }
0xbc: {  	s0 =	sadd.s32 $0x8F2B, s0  }
0xbd: {  	[sflag:s0] =	ssyncadd.remote.s32 $0x1  }
0xbe: {  	_ =	sfence.sel $0xFFFF  }
0xbf: {  	[dreg:$0x0] =	wrdreg $0xFFFFFFFF;
	(pc) =	sbr.abs _section_cstart, $3  }
0xc0: {  	[dreg:$0x1] =	wrdreg $0xFFFFFFFF  }
0xc1: {  	_ =	task.clear_ibuf [dreg:s7], $0x2FFFF;
	_ =	strace $0x9FFFFFFF  }
0xc2: {  	(tm) =	ssettm $0x7FFFFFFF  }
0xc3: {  	_ =	shalt  }
tec
execute0_lowered:
.L_overlay_start_1:
0x0: {  	(tag) =	ssettag $0x1  }
0x1: {  	s0 =	rddreg [dreg:$0x0];
	s1 =	srdreg.scid  }
0x2: {  	s11 =	stileid.u32;
	s2 =	rddreg [dreg:$0x1];
	s3 =	simm.s32 $0x0  }
0x3: {  	s13 =	simm.s32 $0x800;
	s28 =	simm.s32 $0x400;
	s29 =	simm.s32 $0x8800  }
0x4: {  	s14 =	simm.s32 $0x480;
	s15 =	simm.s32 $0x9800;
	s9 =	smul.u32 $0x320000, s11  }
0x5: {  	s16 =	simm.s32 $0x500;
	s30 =	simm.s32 $0x580;
	s20 =	smul.u32 $0x640, s11  }
0x6: {  	s1 =	sand.u32 $0x1, s1;
	s4 =	sshll.u32 s11, $0x1;
	s11 =	smul.u32 $0x1900000, s11  }
0x7: {  	s31 =	simm.s32 $0xB800;
	s17 =	simm.s32 $0x1;
	s21 =	smul.u32 $0x320, s1  }
0x8: {  	s18 =	simm.s32 $0x20;
	s19 =	simm.s32 $0x2;
	s22 =	smul.u32 $0x190000, s1  }
0x9: {  	s4 =	sor.u32 s1, s4;
	s6 =	ssub.s32 $0x2, s1;
	s1 =	smul.u32 $0xC80000, s1  }
0xa: {  	[smem:$0x7FF] =	sst s3;
	s7 =	sadd.s32 $0x800, s0;
	s5 =	smul.u32 $0x3200, s4  }
0xb: {  	s0 =	sadd.s32 $0x64800, s0;
	_ =	strace $0x80000047;
	s4 =	smul.u32 $0xC80000, s4  }
0xc: {  	s8 =	sshrl.u32 s6, $0x1;
	s25 =	sadd.s32 s9, s0;
	s9 =	simm.s32 $0x380  }
0xd: {  	s6 =	ssub.s32 s6, s8;
	s1 =	sadd.s32 s1, s11;
	s11 =	simm.s32 $0x3  }
0xe: {  	s8 =	simm.s32 $0x6800;
	s10 =	sadd.s32 s7, s5;
	s4 =	sshrl.u32 s4, $0x3  }
0xf: {  	s5 =	sadd.s32 s21, s20;
	s24 =	smax.u32 s6, $0x1;
	s1 =	sshrl.u32 s1, $0x3  }
0x10: {  	s21 =	simm.s32 $0x1800;
	s6 =	simm.s32 $0x280;
	s20 =	simm.s32 $0x0  }
0x11: {  	[dreg:$0x5] =	wrdreg s10;
	s10 =	sadd.s32 $0x80, s10;
	s4 =	sadd.s32 s0, s4  }
0x12: {  	s23 =	sshll.u32 s5, $0x4;
	[dreg:$0x9] =	wrdreg s24;
	s5 =	sadd.s32 s22, s25  }
0x13: {  	s0 =	sadd.s32 s1, s0;
	s24 =	simm.s32 $0x2800;
	[dreg:$0xc] =	wrdreg s20  }
0x14: {  	s25 =	simm.s32 $0x180;
	s1 =	simm.s32 $0x3800;
	[dreg:$0x6] =	wrdreg s10  }
0x15: {  	s22 =	simm.s32 $0x600;
	s12 =	sadd.s32 $0x188000, s4;
	[dreg:$0xb] =	wrdreg s0  }
0x16: {  	s4 =	sadd.s32 $0x18C000, s4;
	s5 =	sadd.s32 $0x4000, s5;
	[dreg:$0x7] =	wrdreg s12  }
0x17: {  	s0 =	simm.s32 $0x200;
	s10 =	simm.s32 $0x7800;
	[dreg:$0x8] =	wrdreg s4  }
0x18: {  	s4 =	sadd.s32 s23, s7;
	[dreg:$0xa] =	wrdreg s5;
	s12 =	simm.s32 $0x80  }
0x19: {  	s23 =	simm.s32 $0x100;
	s5 =	simm.s32 $0x4800;
	s26 =	sadd.s32 $0x180, s4  }
0x1a: {  	s7 =	simm.s32 $0x300;
	s4 =	sadd.s32 $0x100, s4;
	[dreg:$0x3] =	wrdreg s26  }
0x1b: {  	[dreg:$0x4] =	wrdreg s4;
	s4 =	simm.s32 $0x5800;
	s26 =	simm.s32 $0xA800  }
.LBB2_1:
0x1c: {  	s20 =	rddreg [dreg:$0x5]  }
0x1d: {  	[tilespmem:s3], [sflag:$0x3] =	stream.linear.gather [hbm4b:s20+s3], $0x400, $0x38;
	[tilespmem:$0x10800] =	vst v63  }
0x1e: {  	_ =	swait.ge [sflag:s11], $0x400  }
0x1f: {  	[sflag:s11] =	ssyncset.done $0x0  }
0x20: {  	[sflag:s11] =	ssyncadd.s32 $0xFFFFFC00  }
0x21: {  	[tilespmem:s13], [sflag:$0x1] =	stream.indirect.gather [hbm4b:s2+s12], $0x20, s3, s12, $0xb8;
	[tilespmem:$0x10800] =	vst v63  }
0x22: {  	_ = 	snop  }
0x23: {  	[tilespmem:s21], [sflag:$0x1] =	stream.indirect.gather [hbm4b:s2+s12], $0x20, s12, s12, $0xb8;
	[tilespmem:$0x10800] =	vst v63  }
0x24: {  	_ = 	snop  }
0x25: {  	[tilespmem:s24], [sflag:$0x1] =	stream.indirect.gather [hbm4b:s2+s12], $0x20, s23, s12, $0xb8;
	[tilespmem:$0x10800] =	vst v63  }
0x26: {  	_ = 	snop  }
0x27: {  	[tilespmem:s1], [sflag:$0x1] =	stream.indirect.gather [hbm4b:s2+s12], $0x20, s25, s12, $0xb8;
	[tilespmem:$0x10800] =	vst v63  }
0x28: {  	_ = 	snop  }
0x29: {  	[tilespmem:s5], [sflag:$0x1] =	stream.indirect.gather [hbm4b:s2+s12], $0x20, s0, s12, $0xb8;
	[tilespmem:$0x10800] =	vst v63  }
0x2a: {  	_ = 	snop  }
0x2b: {  	[tilespmem:s4], [sflag:$0x1] =	stream.indirect.gather [hbm4b:s2+s12], $0x20, s6, s12, $0xb8;
	[tilespmem:$0x10800] =	vst v63  }
0x2c: {  	_ = 	snop  }
0x2d: {  	[tilespmem:s8], [sflag:$0x1] =	stream.indirect.gather [hbm4b:s2+s12], $0x20, s7, s12, $0xb8;
	[tilespmem:$0x10800] =	vst v63  }
0x2e: {  	_ = 	snop  }
0x2f: {  	[tilespmem:s10], [sflag:$0x1] =	stream.indirect.gather [hbm4b:s2+s12], $0x20, s9, s12, $0xb8;
	[tilespmem:$0x10800] =	vst v63  }
0x30: {  	s20 =	rddreg [dreg:$0x6]  }
0x31: {  	[tilespmem:s28], [sflag:$0x3] =	stream.linear.gather [hbm4b:s20+s3], $0x400, $0x38;
	[tilespmem:$0x10800] =	vst v63  }
0x32: {  	_ =	swait.ge [sflag:s11], $0x400  }
0x33: {  	[sflag:s11] =	ssyncset.done $0x0  }
0x34: {  	[sflag:s11] =	ssyncadd.s32 $0xFFFFFC00  }
0x35: {  	[tilespmem:s29], [sflag:$0x2] =	stream.indirect.gather [hbm4b:s2+s12], $0x20, s28, s12, $0xb8;
	[tilespmem:$0x10800] =	vst v63  }
0x36: {  	_ = 	snop  }
0x37: {  	[tilespmem:s15], [sflag:$0x2] =	stream.indirect.gather [hbm4b:s2+s12], $0x20, s14, s12, $0xb8;
	[tilespmem:$0x10800] =	vst v63  }
0x38: {  	_ = 	snop  }
0x39: {  	[tilespmem:s26], [sflag:$0x2] =	stream.indirect.gather [hbm4b:s2+s12], $0x20, s16, s12, $0xb8;
	[tilespmem:$0x10800] =	vst v63  }
0x3a: {  	_ = 	snop  }
0x3b: {  	[tilespmem:s31], [sflag:$0x2] =	stream.indirect.gather [hbm4b:s2+s12], $0x20, s30, s12, $0xb8;
	[tilespmem:$0x10800] =	vst v63  }
0x3c: {  	s20 =	simm.s32 $0xC800  }
0x3d: {  	[tilespmem:s20], [sflag:$0x2] =	stream.indirect.gather [hbm4b:s2+s12], $0x20, s22, s12, $0xb8;
	[tilespmem:$0x10800] =	vst v63  }
0x3e: {  	s20 =	simm.s32 $0x680;
	s22 =	simm.s32 $0xD800  }
0x3f: {  	[tilespmem:s22], [sflag:$0x2] =	stream.indirect.gather [hbm4b:s2+s12], $0x20, s20, s12, $0xb8;
	[tilespmem:$0x10800] =	vst v63  }
0x40: {  	s20 =	simm.s32 $0x700;
	s22 =	simm.s32 $0xE800  }
0x41: {  	[tilespmem:s22], [sflag:$0x2] =	stream.indirect.gather [hbm4b:s2+s12], $0x20, s20, s12, $0xb8;
	[tilespmem:$0x10800] =	vst v63  }
0x42: {  	s20 =	simm.s32 $0x780;
	s22 =	simm.s32 $0xF800  }
0x43: {  	[tilespmem:s22], [sflag:$0x2] =	stream.indirect.gather [hbm4b:s2+s12], $0x20, s20, s12, $0xb8;
	[tilespmem:$0x10800] =	vst v63  }
0x44: {  	_ =	swait.ge [sflag:s17], $0x8000  }
0x45: {  	[sflag:s17] =	ssyncset.done $0x0  }
0x46: {  	s22 =	rddreg [dreg:$0xb];
	[sflag:s17] =	ssyncadd.s32 $0xFFFF8000  }
0x47: {  	[hbm4b:s22+s18] =	stream.strided.scatter [tilespmem:s13], [sflag:$0x3], $0x8000, s12, s18, $0x38;
	[tilespmem:$0x10800] =	vst v63  }
0x48: {  	_ =	swait.ge [sflag:s11], $0x8000  }
0x49: {  	s20 =	rddreg [dreg:$0x4];
	[sflag:s11] =	ssyncset.done $0x0  }
0x4a: {  	[sflag:s11] =	ssyncadd.s32 $0xFFFF8000;
	s20 =	sadd.s32 $0x0, s20  }
0x4b: {  	[tilespmem:s3], [sflag:$0x3] =	stream.linear.gather [hbm4b:s20+s3], $0x400, $0x38;
	[tilespmem:$0x10800] =	vst v63  }
0x4c: {  	_ =	swait.ge [sflag:s11], $0x400  }
0x4d: {  	[sflag:s11] =	ssyncset.done $0x0  }
0x4e: {  	[sflag:s11] =	ssyncadd.s32 $0xFFFFFC00  }
0x4f: {  	[tilespmem:s13], [sflag:$0x1] =	stream.indirect.gather [hbm4b:s2+s12], $0x20, s3, s12, $0xb8;
	[tilespmem:$0x10800] =	vst v63  }
0x50: {  	_ = 	snop  }
0x51: {  	[tilespmem:s21], [sflag:$0x1] =	stream.indirect.gather [hbm4b:s2+s12], $0x20, s12, s12, $0xb8;
	[tilespmem:$0x10800] =	vst v63  }
0x52: {  	_ = 	snop  }
0x53: {  	[tilespmem:s24], [sflag:$0x1] =	stream.indirect.gather [hbm4b:s2+s12], $0x20, s23, s12, $0xb8;
	[tilespmem:$0x10800] =	vst v63  }
0x54: {  	_ = 	snop  }
0x55: {  	[tilespmem:s1], [sflag:$0x1] =	stream.indirect.gather [hbm4b:s2+s12], $0x20, s25, s12, $0xb8;
	[tilespmem:$0x10800] =	vst v63  }
0x56: {  	_ = 	snop  }
0x57: {  	[tilespmem:s5], [sflag:$0x1] =	stream.indirect.gather [hbm4b:s2+s12], $0x20, s0, s12, $0xb8;
	[tilespmem:$0x10800] =	vst v63  }
0x58: {  	_ = 	snop  }
0x59: {  	[tilespmem:s4], [sflag:$0x1] =	stream.indirect.gather [hbm4b:s2+s12], $0x20, s6, s12, $0xb8;
	[tilespmem:$0x10800] =	vst v63  }
0x5a: {  	_ = 	snop  }
0x5b: {  	[tilespmem:s8], [sflag:$0x1] =	stream.indirect.gather [hbm4b:s2+s12], $0x20, s7, s12, $0xb8;
	[tilespmem:$0x10800] =	vst v63  }
0x5c: {  	_ = 	snop  }
0x5d: {  	[tilespmem:s10], [sflag:$0x1] =	stream.indirect.gather [hbm4b:s2+s12], $0x20, s9, s12, $0xb8;
	[tilespmem:$0x10800] =	vst v63  }
0x5e: {  	_ =	swait.ge [sflag:s19], $0x8000  }
0x5f: {  	[sflag:s19] =	ssyncset.done $0x0  }
0x60: {  	s9 =	rddreg [dreg:$0xa];
	[sflag:s19] =	ssyncadd.s32 $0xFFFF8000  }
0x61: {  	[hbm4b:s9+s18] =	stream.strided.scatter [tilespmem:s29], [sflag:$0x3], $0x8000, s12, s18, $0x38;
	[tilespmem:$0x10800] =	vst v63  }
0x62: {  	_ =	swait.ge [sflag:s11], $0x8000  }
0x63: {  	s10 =	rddreg [dreg:$0x3];
	[sflag:s11] =	ssyncset.done $0x0  }
0x64: {  	[sflag:s11] =	ssyncadd.s32 $0xFFFF8000;
	s20 =	sadd.s32 $0x0, s10  }
0x65: {  	[tilespmem:s28], [sflag:$0x3] =	stream.linear.gather [hbm4b:s20+s3], $0x400, $0x38;
	[tilespmem:$0x10800] =	vst v63  }
0x66: {  	_ =	swait.ge [sflag:s11], $0x400  }
0x67: {  	s22 =	sadd.s32 $0x8000, s22;
	[sflag:s11] =	ssyncset.done $0x0  }
0x68: {  	s23 =	simm.s32 $0x680;
	s24 =	simm.s32 $0xD800;
	[sflag:s11] =	ssyncadd.s32 $0xFFFFFC00  }
0x69: {  	[tilespmem:s29], [sflag:$0x2] =	stream.indirect.gather [hbm4b:s2+s12], $0x20, s28, s12, $0xb8;
	[tilespmem:$0x10800] =	vst v63  }
0x6a: {  	s25 =	simm.s32 $0x700;
	s1 =	simm.s32 $0xB800;
	s0 =	simm.s32 $0x200  }
0x6b: {  	[tilespmem:s15], [sflag:$0x2] =	stream.indirect.gather [hbm4b:s2+s12], $0x20, s14, s12, $0xb8;
	[tilespmem:$0x10800] =	vst v63  }
0x6c: {  	s5 =	simm.s32 $0x4800;
	s6 =	simm.s32 $0x280;
	s4 =	simm.s32 $0x5800  }
0x6d: {  	[tilespmem:s26], [sflag:$0x2] =	stream.indirect.gather [hbm4b:s2+s12], $0x20, s16, s12, $0xb8;
	[tilespmem:$0x10800] =	vst v63  }
0x6e: {  	s7 =	simm.s32 $0x300;
	s8 =	simm.s32 $0x6800;
	s21 =	sadd.s32 $0x8000, s9  }
0x6f: {  	[tilespmem:s31], [sflag:$0x2] =	stream.indirect.gather [hbm4b:s2+s12], $0x20, s30, s12, $0xb8;
	[tilespmem:$0x10800] =	vst v63  }
0x70: {  	s9 =	simm.s32 $0x380;
	s20 =	simm.s32 $0x600;
	s16 =	simm.s32 $0xC800  }
0x71: {  	[tilespmem:s16], [sflag:$0x2] =	stream.indirect.gather [hbm4b:s2+s12], $0x20, s20, s12, $0xb8;
	[tilespmem:$0x10800] =	vst v63  }
0x72: {  	s10 =	simm.s32 $0x7800;
	s14 =	simm.s32 $0x480;
	s15 =	simm.s32 $0x9800  }
0x73: {  	[tilespmem:s24], [sflag:$0x2] =	stream.indirect.gather [hbm4b:s2+s12], $0x20, s23, s12, $0xb8;
	[tilespmem:$0x10800] =	vst v63  }
0x74: {  	s26 =	simm.s32 $0xE800;
	s31 =	simm.s32 $0x580;
	s30 =	simm.s32 $0x2800  }
0x75: {  	[tilespmem:s26], [sflag:$0x2] =	stream.indirect.gather [hbm4b:s2+s12], $0x20, s25, s12, $0xb8;
	[tilespmem:$0x10800] =	vst v63  }
0x76: {  	s20 =	simm.s32 $0x100;
	s16 =	simm.s32 $0x500;
	s25 =	simm.s32 $0xA800  }
.LBB2_2:
0x77: {  	s23 =	simm.s32 $0x780;
	s24 =	simm.s32 $0xF800  }
0x78: {  	[tilespmem:s24], [sflag:$0x2] =	stream.indirect.gather [hbm4b:s2+s12], $0x20, s23, s12, $0xb8;
	[tilespmem:$0x10800] =	vst v63  }
0x79: {  	_ =	swait.ge [sflag:s17], $0x8000  }
0x7a: {  	[sflag:s17] =	ssyncset.done $0x0  }
0x7b: {  	[sflag:s17] =	ssyncadd.s32 $0xFFFF8000  }
0x7c: {  	[hbm4b:s22+s18] =	stream.strided.scatter [tilespmem:s13], [sflag:$0x3], $0x8000, s12, s18, $0x38;
	[tilespmem:$0x10800] =	vst v63  }
0x7d: {  	_ =	swait.ge [sflag:s11], $0x8000  }
0x7e: {  	s23 =	smov.u32 s20;
	s26 =	rddreg [dreg:$0x4];
	[sflag:s11] =	ssyncset.done $0x0  }
0x7f: {  	[sflag:s11] =	ssyncadd.s32 $0xFFFF8000;
	s24 =	sadd.s32 s23, s26  }
0x80: {  	[tilespmem:s3], [sflag:$0x3] =	stream.linear.gather [hbm4b:s24+s3], $0x400, $0x38;
	[tilespmem:$0x10800] =	vst v63  }
0x81: {  	_ =	swait.ge [sflag:s11], $0x400  }
0x82: {  	[sflag:s11] =	ssyncset.done $0x0  }
0x83: {  	[sflag:s11] =	ssyncadd.s32 $0xFFFFFC00  }
0x84: {  	[tilespmem:s13], [sflag:$0x1] =	stream.indirect.gather [hbm4b:s2+s12], $0x20, s3, s12, $0xb8;
	[tilespmem:$0x10800] =	vst v63  }
0x85: {  	s26 =	simm.s32 $0x1800  }
0x86: {  	[tilespmem:s26], [sflag:$0x1] =	stream.indirect.gather [hbm4b:s2+s12], $0x20, s12, s12, $0xb8;
	[tilespmem:$0x10800] =	vst v63  }
0x87: {  	s26 =	simm.s32 $0x100  }
0x88: {  	[tilespmem:s30], [sflag:$0x1] =	stream.indirect.gather [hbm4b:s2+s12], $0x20, s26, s12, $0xb8;
	[tilespmem:$0x10800] =	vst v63  }
0x89: {  	s24 =	simm.s32 $0x180;
	s26 =	simm.s32 $0x3800  }
0x8a: {  	[tilespmem:s26], [sflag:$0x1] =	stream.indirect.gather [hbm4b:s2+s12], $0x20, s24, s12, $0xb8;
	[tilespmem:$0x10800] =	vst v63  }
0x8b: {  	_ = 	snop  }
0x8c: {  	[tilespmem:s5], [sflag:$0x1] =	stream.indirect.gather [hbm4b:s2+s12], $0x20, s0, s12, $0xb8;
	[tilespmem:$0x10800] =	vst v63  }
0x8d: {  	_ = 	snop  }
0x8e: {  	[tilespmem:s4], [sflag:$0x1] =	stream.indirect.gather [hbm4b:s2+s12], $0x20, s6, s12, $0xb8;
	[tilespmem:$0x10800] =	vst v63  }
0x8f: {  	_ = 	snop  }
0x90: {  	[tilespmem:s8], [sflag:$0x1] =	stream.indirect.gather [hbm4b:s2+s12], $0x20, s7, s12, $0xb8;
	[tilespmem:$0x10800] =	vst v63  }
0x91: {  	_ = 	snop  }
0x92: {  	[tilespmem:s10], [sflag:$0x1] =	stream.indirect.gather [hbm4b:s2+s12], $0x20, s9, s12, $0xb8;
	[tilespmem:$0x10800] =	vst v63  }
0x93: {  	_ =	swait.ge [sflag:s19], $0x8000  }
0x94: {  	[sflag:s19] =	ssyncset.done $0x0  }
0x95: {  	[sflag:s19] =	ssyncadd.s32 $0xFFFF8000  }
0x96: {  	[hbm4b:s21+s18] =	stream.strided.scatter [tilespmem:s29], [sflag:$0x3], $0x8000, s12, s18, $0x38;
	[tilespmem:$0x10800] =	vst v63  }
0x97: {  	_ =	swait.ge [sflag:s11], $0x8000  }
0x98: {  	s26 =	rddreg [dreg:$0x3];
	[sflag:s11] =	ssyncset.done $0x0  }
0x99: {  	[sflag:s11] =	ssyncadd.s32 $0xFFFF8000;
	s23 =	sadd.s32 s23, s26  }
0x9a: {  	[tilespmem:s28], [sflag:$0x3] =	stream.linear.gather [hbm4b:s23+s3], $0x400, $0x38;
	[tilespmem:$0x10800] =	vst v63  }
0x9b: {  	_ =	swait.ge [sflag:s11], $0x400  }
0x9c: {  	[sflag:s11] =	ssyncset.done $0x0  }
0x9d: {  	[sflag:s11] =	ssyncadd.s32 $0xFFFFFC00  }
0x9e: {  	[tilespmem:s29], [sflag:$0x2] =	stream.indirect.gather [hbm4b:s2+s12], $0x20, s28, s12, $0xb8;
	[tilespmem:$0x10800] =	vst v63  }
0x9f: {  	_ = 	snop  }
0xa0: {  	[tilespmem:s15], [sflag:$0x2] =	stream.indirect.gather [hbm4b:s2+s12], $0x20, s14, s12, $0xb8;
	[tilespmem:$0x10800] =	vst v63  }
0xa1: {  	_ = 	snop  }
0xa2: {  	[tilespmem:s25], [sflag:$0x2] =	stream.indirect.gather [hbm4b:s2+s12], $0x20, s16, s12, $0xb8;
	[tilespmem:$0x10800] =	vst v63  }
0xa3: {  	_ = 	snop  }
0xa4: {  	[tilespmem:s1], [sflag:$0x2] =	stream.indirect.gather [hbm4b:s2+s12], $0x20, s31, s12, $0xb8;
	[tilespmem:$0x10800] =	vst v63  }
0xa5: {  	p0 =	sne.s32 s20, $0x3000;
	s24 =	simm.s32 $0xC800;
	s26 =	simm.s32 $0x600  }
0xa6: {  	[tilespmem:s24], [sflag:$0x2] =	stream.indirect.gather [hbm4b:s2+s12], $0x20, s26, s12, $0xb8;
	[tilespmem:$0x10800] =	vst v63  }
.Ltmp0:
0xa7: {  	s20 =	sadd.s32 $0x100, s20;
	(pc) =	sbr.rel @p0 .LBB2_2-.Ltmp0, $4  }
0xa8: {  	s22 =	sadd.s32 $0x8000, s22;
	s24 =	simm.s32 $0x680;
	s26 =	simm.s32 $0xD800  }
0xa9: {  	[tilespmem:s26], [sflag:$0x2] =	stream.indirect.gather [hbm4b:s2+s12], $0x20, s24, s12, $0xb8;
	[tilespmem:$0x10800] =	vst v63  }
0xaa: {  	s21 =	sadd.s32 $0x8000, s21;
	s24 =	simm.s32 $0x700;
	s26 =	simm.s32 $0xE800  }
0xab: {  	[tilespmem:s26], [sflag:$0x2] =	stream.indirect.gather [hbm4b:s2+s12], $0x20, s24, s12, $0xb8;
	[tilespmem:$0x10800] =	vst v63  }
0xac: {  	s0 =	simm.s32 $0x780;
	s1 =	simm.s32 $0xF800  }
0xad: {  	[tilespmem:s1], [sflag:$0x2] =	stream.indirect.gather [hbm4b:s2+s12], $0x20, s0, s12, $0xb8;
	[tilespmem:$0x10800] =	vst v63  }
0xae: {  	_ =	swait.ge [sflag:s17], $0x8000  }
0xaf: {  	[sflag:s17] =	ssyncset.done $0x0  }
0xb0: {  	s20 =	rddreg [dreg:$0x7];
	[sflag:s17] =	ssyncadd.s32 $0xFFFF8000  }
0xb1: {  	[hbm4b:s20+s18] =	stream.strided.scatter [tilespmem:s13], [sflag:$0x3], $0x8000, s12, s18, $0x38;
	[tilespmem:$0x10800] =	vst v63  }
0xb2: {  	_ =	swait.ge [sflag:s11], $0x8000  }
0xb3: {  	[sflag:s11] =	ssyncset.done $0x0  }
0xb4: {  	[sflag:s11] =	ssyncadd.s32 $0xFFFF8000  }
0xb5: {  	_ =	swait.ge [sflag:s19], $0x8000  }
0xb6: {  	s21 =	simm.s32 $0x1800;
	[sflag:s19] =	ssyncset.done $0x0  }
0xb7: {  	s23 =	simm.s32 $0x100;
	s24 =	rddreg [dreg:$0x8];
	[sflag:s19] =	ssyncadd.s32 $0xFFFF8000  }
0xb8: {  	[hbm4b:s24+s18] =	stream.strided.scatter [tilespmem:s29], [sflag:$0x3], $0x8000, s12, s18, $0x38;
	[tilespmem:$0x10800] =	vst v63  }
0xb9: {  	s5 =	simm.s32 $0x4800;
	s6 =	simm.s32 $0x280;
	_ =	swait.ge [sflag:s11], $0x8000  }
0xba: {  	s4 =	simm.s32 $0x5800;
	s7 =	simm.s32 $0x300;
	s25 =	rddreg [dreg:$0xc]  }
0xbb: {  	s8 =	simm.s32 $0x6800;
	s26 =	rddreg [dreg:$0x9];
	s0 =	sadd.s32 $0x1, s25  }
0xbc: {  	s9 =	simm.s32 $0x380;
	s10 =	simm.s32 $0x7800;
	p0 =	sne.s32 s0, s26  }
.Ltmp1:
0xbd: {  	s14 =	simm.s32 $0x480;
	s15 =	simm.s32 $0x9800;
	(pc) =	sbr.rel @p0 .LBB2_1-.Ltmp1, $4  }
0xbe: {  	s16 =	simm.s32 $0x500;
	s30 =	simm.s32 $0x580;
	s31 =	simm.s32 $0xB800  }
0xbf: {  	s22 =	simm.s32 $0x600;
	s1 =	simm.s32 $0x3800;
	[sflag:s11] =	ssyncset.done $0x0  }
0xc0: {  	s24 =	simm.s32 $0x2800;
	[sflag:s11] =	ssyncadd.s32 $0xFFFF8000;
	s25 =	simm.s32 $0x180  }
0xc1: {  	[dreg:$0xc] =	wrdreg s0;
	s0 =	simm.s32 $0x200;
	s26 =	simm.s32 $0xA800  }
0xc2: {  	_ =	sfence.sel $0x180000  }
0xc3: {  	[bflag:$0x0] =	sbarrier.arrive $0xFFFF  }
0xc4: {  	_ =	strace $0x90000047  }
0xc5: {  	s0 =	stileid.u32;
	[bflag:$0x2] =	sbarrier.arrive $0xFFFF  }
0xc6: {  	p0 =	sne.s32 s0, $0x0;
	s0 =	rddreg [dreg:$0x2]  }
0xc7: {  	s0 =	sadd.s32 @!p0 $0x100000, s0  }
0xc8: {  	[sflag:s0] =	ssyncadd.tile.s32 @!p0 $0x1;
	_ =	shalt  }
.Lfunc_end2:
_tile_overlayer_lowered:
.L_overlay_start_2:
0xc9: {  	(tag) =	ssettag $0x2  }
0xca: {  	s0 =	rddreg [dreg:$0x0];
	s2 =	stileid.u32  }
0xcb: {  	s1 =	rddreg [dreg:$0x1];
	p0 =	sne.s32 s2, $0x0  }
0xcc: {  	s3 =	rddreg [dreg:$0x2];
	[bflag:$0x3] =	sbarrier.arrive $0xFFFF;
	s2 =	simm.s32 @!p0 $0x1C03  }
0xcd: {  	[timem:s3], [sflag:s2] =	dma.local @!p0 [hbm:s0], s1  }
0xce: {  	s0 =	simm.s32 @!p0 $0x3  }
0xcf: {  	_ =	swait.ge @!p0 [sflag:s0], s1  }
0xd0: {  	s1 =	ssub.s32 @!p0 $0x0, s1;
	[sflag:s0] =	ssyncset.done @!p0 $0x0  }
0xd1: {  	[sflag:s0] =	ssyncadd.s32 @!p0 s1  }
0xd2: {  	[bflag:$0x3] =	sbarrier.arrive $0xFFFF  }
0xd3: {  	_ =	shalt  }

// kernel: sparse-core-data-format-call.cloned.1.call-start
scs
called_computation_lowered:
.L_overlay_start_0:
0x0: {  	s2 =	sld [smem:$0x3FD9]  }
0x1: {  	s3 =	sld [smem:$0x3FFE];
	_ =	sdelay $0x1  }
0x2: {  	s1 =	srdreg.scid  }
0x3: {  	s0 =	sand.u32 $0x1, s1  }
0x4: {  	s18 =	sshll.u32 s0, $0xA;
	s2 =	sadd.s32 s3, s2  }
0x5: {  	s2 =	sadd.s32 s2, s18  }
0x6: {  	[smem:$0x3FC6] =	sst s2  }
0x7: {  	_ = 	snop  }
0x8: {  	s2 =	sld [smem:$0x3FD0];
	(tm) =	ssettm $0x1  }
0x9: {  	s19 =	sld [smem:$0x3FFB];
	_ =	sdelay $0x3  }
0xa: {  	_ =	strace s19  }
0xb: {  	s3 =	sld [smem:$0x3FFC];
	_ =	sdelay $0x3  }
0xc: {  	_ =	strace s3  }
0xd: {  	s3 =	sld [smem:$0x3FFD];
	_ =	sdelay $0x3  }
0xe: {  	_ =	strace s3  }
0xf: {  	_ =	strace $0x8FFFFFFF  }
0x10: {  	s20 =	sld [smem:$0x3FDB];
	_ =	sdelay $0x1  }
0x11: {  	s4 =	simm.s32 $_scs_section_size  }
0x12: {  	s5 =	simm.s32 $_size__tile_overlayer_lowered;
	s6 =	simm.s32 $_tile_overlayer_lowered  }
0x13: {  	s23 =	simm.s32 $0x1BFF;
	s22 =	sshll.u32 s6, $0x1;
	s3 =	sadd.s32 s4, s20  }
0x14: {  	s7 =	simm.s32 $0x0;
	s21 =	sshll.u32 s5, $0x1;
	s5 =	sadd.s32 s22, s3  }
0x15: {  	[timem:s7], [sflag:s23] =	dma.local [hbm:s5], s21  }
0x16: {  	_ =	swait.ge [sflag:s23], s21  }
0x17: {  	s4 =	ssub.s32 $0x0, s21;
	[sflag:s23] =	ssyncset.done $0x0  }
0x18: {  	[sflag:s23] =	ssyncadd.s32 s4;
	_ =	sdelay $0x1  }
0x19: {  	s24 =	simm.s32 $0x1B8B  }
0x1a: {  	_ =	swait.ge [sflag:s24], $0x1  }
0x1b: {  	[sflag:s24] =	ssyncset.done $0x0  }
0x1c: {  	s26 =	simm.s32 $0x1B8E;
	s25 =	sld [smem:$0x3FFE];
	[sflag:s24] =	ssyncadd.s32 $0xFFFFFFFF  }
0x1d: {  	s27 =	simm.s32 $execute0_lowered;
	[smem:$0x3FD2] =	sst s26  }
0x1e: {  	s5 =	sshll.u32 s27, $0x1;
	_ =	strace $0x80000049;
	[dreg:$0x1] =	wrdreg $0xFFFFFFFF  }
0x1f: {  	s28 =	simm.s32 $_size_execute0_lowered;
	s3 =	sadd.s32 s3, s5;
	[dreg:$0x0] =	wrdreg $0x0  }
0x20: {  	s5 =	sshll.u32 s28, $0x1;
	[dreg:$0x2] =	wrdreg s3  }
0x21: {  	[dreg:$0x3] =	wrdreg s5  }
0x22: {  	[dreg:$0x4] =	wrdreg $0xC0  }
0x23: {  	_ =	task [dreg:s7], $0x5FFFF  }
0x24: {  	[dreg:$0x1] =	wrdreg $0xFFFFFFFF  }
0x25: {  	[dreg:$0x0] =	wrdreg $0x60  }
0x26: {  	[dreg:$0x2] =	wrdreg s25  }
0x27: {  	[dreg:$0x3] =	wrdreg s2  }
0x28: {  	[dreg:$0x4] =	wrdreg $0x9  }
0x29: {  	_ =	task.clear_ibuf [dreg:s7], $0x5FFFF;
	_ =	strace $0x90000049  }
0x2a: {  	s29 =	simm.s32 $0x9;
	_ =	strace $0x8000004B  }
0x2b: {  	_ =	swait.ge [sflag:s29], $0x1  }
0x2c: {  	[sflag:s29] =	ssyncadd.s32 $0xFFFFFFFF  }
0x2d: {  	_ =	strace $0x9000004B  }
0x2e: {  	_ =	sfence  }
0x2f: {  	s30 =	sld [smem:$0x0];
	_ =	sdelay $0x2  }
0x30: {  	s31 =	sshll.u32 s1, $0xD;
	s1 =	sshrl.u32 s1, $0x2  }
0x31: {  	s3 =	sand.u32 $0x4000, s31;
	s1 =	sadd.s32 s1, s30  }
0x32: {  	s0 =	sor.u32 s3, s0;
	s1 =	sshll.u32 s1, $0x11  }
0x33: {  	s0 =	sor.u32 s1, s0  }
0x34: {  	s0 =	sadd.s32 $0x8F2B, s0  }
0x35: {  	[sflag:s0] =	ssyncadd.remote.s32 $0x1  }
0x36: {  	_ =	sfence.sel $0xFFFF  }
0x37: {  	[dreg:$0x0] =	wrdreg $0xFFFFFFFF;
	(pc) =	sbr.abs _section_cstart, $3  }
0x38: {  	[dreg:$0x1] =	wrdreg $0xFFFFFFFF  }
0x39: {  	_ =	task.clear_ibuf [dreg:s7], $0x2FFFF;
	_ =	strace $0x9FFFFFFF  }
0x3a: {  	(tm) =	ssettm $0x7FFFFFFF  }
0x3b: {  	_ =	shalt  }
tec
execute0_lowered:
.L_overlay_start_1:
0x0: {  	(tag) =	ssettag $0x1  }
0x1: {  	s0 =	srdreg.scid  }
0x2: {  	s1 =	sshll.u32 s0, $0x4  }
0x3: {  	s9 =	rddreg [dreg:$0x0];
	s0 =	stileid.u32;
	s1 =	sand.u32 $0x10, s1  }
0x4: {  	s3 =	rddreg [dreg:$0x1];
	s5 =	simm.s32 $0x1;
	s1 =	sor.u32 s0, s1  }
0x5: {  	s7 =	simm.s32 $0x2;
	s15 =	simm.s32 $0x0;
	s2 =	sshll.u32 s1, $0x7  }
0x6: {  	s11 =	simm.s32 $0x20000;
	s16 =	simm.s32 $0x0;
	s4 =	ssub.s32 $0x4000, s2  }
0x7: {  	s13 =	simm.s32 $0x0;
	s14 =	simm.s32 $0x0;
	s31 =	sand.u32 $0xF80, s4  }
0x8: {  	s8 =	sadd.s32 $0xE4800, s9;
	s1 =	rddreg [dreg:$0x2];
	p0 =	sne.s32 s31, $0x0  }
.Ltmp0:
0x9: {  	s6 =	sshrl.u32 s4, $0xC;
	s5 =	simm.s32 @!p0 $0x0;
	(pc) =	sbr.rel .LBB1_1-.Ltmp0, $4  }
0xa: {  	_ =	strace $0x8000004A;
	s4 =	simm.s32 $0x1;
	s5 =	sadd.s32 s5, s6  }
0xb: {  	s12 =	smov.u32 s2;
	[sflag:s4] =	ssyncpa.u1 $0x0;
	s5 =	smul.u32 $0x32, s5  }
0xc: {  	[sflag:s7] =	ssyncpa.u1 $0x0;
	s7 =	sadd.s32 $0xA4800, s9;
	p0 =	por $0x0, $0x0  }
0xd: {  	s6 =	sadd.s32 $0x64800, s9;
	s9 =	sadd.s32 $0x124800, s9;
	s10 =	sor.u32 $0x1, s5  }
.LBB1_7:
0xe: {  	s17 =	sadd.s32 $0x1000, s12  }
0xf: {  	s15 =	sadd.s32 $0x4, s13;
	s19 =	smov.u32 s13;
	p2 =	sgt.s32 s17, $0x3FFF  }
0x10: {  	s19 =	smov.u32 @p2 s15  }
0x11: {  	s17 =	smov.u32 @p2 s2;
	p2 =	sgt.s32 s19, $0xC7  }
0x12: {  	s19 =	simm.s32 @p2 $0x0;
	p2 =	sne.s32 s14, s10  }
.Ltmp1:
0x13: {  	p1 =	slt.u32 s14, $0x2;
	(pc) =	sbr.rel @!p2 .LBB1_8-.Ltmp1, $4  }
0x14: {  	s18 =	simm.s32 @!p1 $0x2  }
0x15: {  	s16 =	smov.u32 s13;
	p0 =	por !p0, !p0;
	_ =	swait.ge @!p1 [sflag:s18], $0x4000  }
0x16: {  	s15 =	smov.u32 s12;
	[sflag:s18] =	ssyncset.done @!p1 $0x0;
	s12 =	smov.u32 s17  }
0x17: {  	s14 =	sadd.s32 $0x1, s14;
	[sflag:s18] =	ssyncadd.s32 @!p1 $0xFFFFC000;
	s13 =	smov.u32 s19  }
.LBB1_1:
0x18: {  	p1 =	sge.u32 s14, s5  }
0x19: {  	s17 =	sxor.u32 @!p1 $0xFFFFFFFF, s14  }
0x1a: {  	s18 =	sshll.u32 @!p1 s13, $0x12;
	s19 =	sshll.u32 @!p1 s12, $0x4;
	s21 =	simm.s32 @!p1 $0x20  }
0x1b: {  	s17 =	sshll.u32 @!p1 s17, $0xE;
	s19 =	sand.u32 @!p1 $0x3FFF0, s19;
	s20 =	sadd.s32 @!p1 s6, s18  }
0x1c: {  	s22 =	simm.s32 @!p1 $0x80;
	s17 =	sand.u32 @!p1 $0x4000, s17;
	s20 =	sadd.s32 @!p1 s19, s20  }
0x1d: {  	[tilespmem:s17], [sflag:$0x1] =	stream.strided.gather @!p1 [hbm4b:s20+s21], $0x1000, s22, s21, $0x38;
	[tilespmem:$0x10100] =	vst v63  }
0x1e: {  	s20 =	sadd.s32 @!p1 s18, s7  }
0x1f: {  	s23 =	sor.u32 @!p1 $0x1000, s17;
	s20 =	sadd.s32 @!p1 s19, s20  }
0x20: {  	[tilespmem:s23], [sflag:$0x1] =	stream.strided.gather @!p1 [hbm4b:s20+s21], $0x1000, s22, s21, $0x38;
	[tilespmem:$0x10100] =	vst v63  }
0x21: {  	s20 =	sadd.s32 @!p1 s18, s8  }
0x22: {  	s23 =	sor.u32 @!p1 $0x2000, s17;
	s18 =	sadd.s32 @!p1 s18, s9;
	s20 =	sadd.s32 @!p1 s19, s20  }
0x23: {  	[tilespmem:s23], [sflag:$0x1] =	stream.strided.gather @!p1 [hbm4b:s20+s21], $0x1000, s22, s21, $0x38;
	[tilespmem:$0x10100] =	vst v63  }
0x24: {  	s31 =	sadd.s32 $0xFFFFFFFF, s14;
	s17 =	sor.u32 @!p1 $0x3000, s17;
	s18 =	sadd.s32 @!p1 s19, s18  }
0x25: {  	[tilespmem:s17], [sflag:$0x1] =	stream.strided.gather @!p1 [hbm4b:s18+s21], $0x1000, s22, s21, $0x38;
	[tilespmem:$0x10100] =	vst v63  }
0x26: {  	p1 =	sge.u32 s31, s5  }
.Ltmp2:
0x27: {  	_ = 	snop;
	(pc) =	sbr.rel @p1 .LBB1_7-.Ltmp2, $1  }
0x28: {  	_ =	sdelay $0x3  }
0x29: {  	s17 =	simm.s32 $0x1;
	s19 =	sand.u32 $0x1, s14  }
0x2a: {  	_ =	swait.ge [sflag:s4], $0x4000;
	s17 =	simm.s32 @!p0 $0x0;
	s20 =	smul.u32 $0x10200, s19  }
0x2b: {  	[sflag:s4] =	ssyncset.done $0x0;
	s18 =	smul.u32 $0x10200, s17  }
0x2c: {  	s17 =	sshll.u32 s17, $0xE;
	[sflag:s4] =	ssyncadd.s32 $0xFFFFC000  }
0x2d: {  	s19 =	sor.u32 $0x10, s17;
	s31 =	sshrl.u32 s20, $0x2;
	s18 =	sshrl.u32 s18, $0x2  }
0x2e: {  	s20 =	simm.s32 $0x0;
	s17 =	sor.u32 $0x8000, s31;
	s18 =	sor.u32 $0x8000, s18  }
.LBB1_3:
0x2f: {  	v1 =	vld [tilespmem:s19+$0x0]  }
0x30: {  	v0 =	vld [tilespmem:s19+$0xFFFFFFF0];
	_ =	sdelay $0x2  }
0x31: {  	s23 =	sadd.s32 $0x0, s18  }
0x32: {  	s21 =	simm.s32 $0x4;
	s22 =	sadd.s32 $0x20, s19;
	[tilespmem:s23+$0x810 ss:$0x81] =	vst.msk $0xffff, v1  }
.LBB1_4:
0x33: {  	v1 =	vld [tilespmem:s22+$0x0];
	p1 =	sne.s32 s21, $0x1FC;
	[tilespmem:s23+$0x0 ss:$0x81] =	vst.msk $0xffff, v0;
	s23 =	smov.u32 s21;
	s21 =	sadd.s32 $0x4, s21  }
.Ltmp3:
0x34: {  	v0 =	vld [tilespmem:s22+$0xFFFFFFF0];
	(pc) =	sbr.rel @p1 .LBB1_4-.Ltmp3, $4  }
0x35: {  	_ = 	snop  }
0x36: {  	s23 =	sshra.s32 s23, $0x2  }
0x37: {  	s23 =	sadd.s32 s23, s18  }
0x38: {  	s22 =	sadd.s32 $0x20, s22;
	[tilespmem:s23+$0x810 ss:$0x81] =	vst.msk $0xffff, v1  }
0x39: {  	s20 =	sadd.s32 $0x1, s20  }
0x3a: {  	p1 =	sne.s32 s20, $0x4  }
.Ltmp4:
0x3b: {  	_ = 	snop;
	(pc) =	sbr.rel @p1 .LBB1_3-.Ltmp4, $2  }
0x3c: {  	_ =	sdelay $0x2  }
0x3d: {  	[tilespmem:s23+$0x0 ss:$0x81] =	vst.msk $0xffff, v0;
	s18 =	sadd.s32 $0x1020, s18;
	s19 =	sadd.s32 $0x1000, s19  }
0x3e: {  	s18 =	sshll.u32 s15, $0x3;
	s19 =	sand.u32 $0x78, s15;
	s16 =	sshll.u32 s16, $0x10  }
.Ltmp5:
0x3f: {  	s30 =	sand.u32 $0xF800, s15;
	s18 =	sand.u32 $0x3C00, s18;
	(pc) =	sbr.rel .LBB1_7-.Ltmp5, $4  }
0x40: {  	s31 =	sand.u32 $0x7, s15;
	s16 =	sadd.s32 s3, s16;
	s18 =	sor.u32 s19, s18  }
0x41: {  	s15 =	sshll.u32 s31, $0x12;
	s16 =	sadd.s32 s30, s16;
	s18 =	sshrl.u32 s18, $0x3  }
0x42: {  	s15 =	sor.u32 $0x400, s15;
	s16 =	sadd.s32 s18, s16  }
0x43: {  	[hbm4b:s16+s15] =	stream.strided.scatter [tilespmem:s17], [sflag:$0x2], $0x4000, s11, s15, $0x20;
	[tilespmem:$0x10100] =	vst v63  }
.LBB1_8:
0x44: {  	_ =	sfence.sel $0x180000  }
0x45: {  	s2 =	simm.s32 $0x1;
	[bflag:$0x0] =	sbarrier.arrive $0xFFFF  }
0x46: {  	s31 =	simm.s32 $0x2;
	[sflag:s2] =	ssyncpa.u1 $0x1  }
0x47: {  	[sflag:s31] =	ssyncpa.u1 $0x1  }
0x48: {  	p0 =	sne.s32 s0, $0x0;
	_ =	strace $0x9000004A  }
0x49: {  	s0 =	sadd.s32 @!p0 $0x100000, s1;
	[bflag:$0x2] =	sbarrier.arrive $0xFFFF  }
0x4a: {  	[sflag:s0] =	ssyncadd.tile.s32 @!p0 $0x1;
	_ =	shalt  }
.Lfunc_end1:
_tile_overlayer_lowered:
.L_overlay_start_2:
0x4b: {  	(tag) =	ssettag $0x2  }
0x4c: {  	s0 =	rddreg [dreg:$0x0];
	s2 =	stileid.u32  }
0x4d: {  	s1 =	rddreg [dreg:$0x1];
	p0 =	sne.s32 s2, $0x0  }
0x4e: {  	s3 =	rddreg [dreg:$0x2];
	[bflag:$0x3] =	sbarrier.arrive $0xFFFF;
	s2 =	simm.s32 @!p0 $0x1C01  }
0x4f: {  	[timem:s3], [sflag:s2] =	dma.local @!p0 [hbm:s0], s1  }
0x50: {  	s0 =	simm.s32 @!p0 $0x1  }
0x51: {  	_ =	swait.ge @!p0 [sflag:s0], s1  }
0x52: {  	s1 =	ssub.s32 @!p0 $0x0, s1;
	[sflag:s0] =	ssyncset.done @!p0 $0x0  }
0x53: {  	[sflag:s0] =	ssyncadd.s32 @!p0 s1  }
0x54: {  	[bflag:$0x3] =	sbarrier.arrive $0xFFFF  }
0x55: {  	_ =	shalt  }

</sc_bundles>
